<compile_context>
chip_gen: v7x
topology: tpu7x:2x2x1
jax: 0.10.2.dev20260603
libtpu: 0.0.44.dev20260713+nightly
codegen_flags: <defaults>
</compile_context>

<pallas_src>
import functools

import jax
import jax.numpy as jnp
from jax import lax
from jax.experimental import pallas as pl
from jax.experimental.pallas import tpu as pltpu
from jax.experimental.pallas import tpu_sc as plsc

E = 8
TOP_K = 2
D = 1024
DH = D // 2
PC = DH // 128
D_FF = 512
T = 2048
BT = 256
P = 6144
NB = P // BT
NA = T * TOP_K


def _silu(x):
    return x * jax.nn.sigmoid(x)


def _cumsum_manual(y, axis):
    n = y.shape[axis]
    s = 1
    while s < n:
        if axis == 1:
            sh = jnp.concatenate([jnp.zeros((y.shape[0], s), y.dtype), y[:, :-s]], axis=1)
        else:
            sh = jnp.concatenate([jnp.zeros((s, y.shape[1]), y.dtype), y[:-s, :]], axis=0)
        y = y + sh
        s *= 2
    return y


def _to_slabs(a):
    w = a.shape[1]
    return jnp.concatenate(
        [a[:, None, c * 128:(c + 1) * 128] for c in range(w // 128)], axis=1)


def _from_slabs(a3):
    return jnp.concatenate([a3[:, c, :] for c in range(a3.shape[1])], axis=1)


def _pack2(a):
    lo = lax.bitcast_convert_type(a[:, :DH].astype(jnp.bfloat16), jnp.uint16).astype(jnp.int32)
    hi = lax.bitcast_convert_type(a[:, DH:].astype(jnp.bfloat16), jnp.uint16).astype(jnp.int32)
    return lo | (hi << 16)


def _unpack2(w):
    lo = lax.bitcast_convert_type(w << 16, jnp.float32)
    hi = lax.bitcast_convert_type(w & jnp.int32(-65536), jnp.float32)
    return jnp.concatenate([lo, hi], axis=1).astype(jnp.bfloat16)


def _router_kernel(x_ref, gate_w_ref,
                   logits_ref, pos_ref, w_t_ref, be_ref, xp_ref):
    x = x_ref[...]
    logits = jax.lax.dot_general(
        x, gate_w_ref[...], (((1,), (1,)), ((), ())),
        precision=jax.lax.Precision.DEFAULT,
        preferred_element_type=jnp.float32)
    logits_ref[...] = logits

    xp_ref[...] = _to_slabs(_pack2(x))

    lt = logits.T
    m = jnp.max(lt, axis=0, keepdims=True)
    p = jnp.exp(lt - m)
    p = p / jnp.sum(p, axis=0, keepdims=True)
    eio = jax.lax.broadcasted_iota(jnp.int32, p.shape, 0)
    m1 = jnp.max(p, axis=0, keepdims=True)
    i1 = jnp.min(jnp.where(p == m1, eio, E), axis=0, keepdims=True)
    p2 = jnp.where(eio == i1, -jnp.inf, p)
    m2 = jnp.max(p2, axis=0, keepdims=True)
    i2 = jnp.min(jnp.where(p2 == m2, eio, E), axis=0, keepdims=True)
    w_t_ref[...] = jnp.concatenate([m1, m2], axis=0)

    onehot = (jnp.where(eio == i1, 1.0, 0.0) + jnp.where(eio == i2, 1.0, 0.0))
    rank_incl = _cumsum_manual(onehot, axis=1)
    rank = rank_incl - onehot
    counts = rank_incl[:, T - 1:T]
    pad = jnp.floor((counts + (BT - 1.0)) * (1.0 / BT)) * BT
    ends = _cumsum_manual(pad, axis=0)
    offs = ends - pad
    slot = offs + rank
    pos1 = jnp.sum(jnp.where(eio == i1, slot, 0.0), axis=0, keepdims=True).astype(jnp.int32)
    pos2 = jnp.sum(jnp.where(eio == i2, slot, 0.0), axis=0, keepdims=True).astype(jnp.int32)
    rows = [pos1[:, r * 128:(r + 1) * 128] for r in range(T // 128)]
    rows += [pos2[:, r * 128:(r + 1) * 128] for r in range(T // 128)]
    pos_ref[...] = jnp.concatenate(rows, axis=0)

    bio = jax.lax.broadcasted_iota(jnp.int32, (NB, E), 0).astype(jnp.float32) * float(BT)
    ends_row = ends.T
    be = jnp.sum(jnp.where(bio >= ends_row, 1.0, 0.0), axis=1, keepdims=True)
    be_ref[...] = jnp.minimum(be, float(E - 1)).astype(jnp.int32)


def _router(x, gate_w):
    return pl.pallas_call(
        _router_kernel,
        grid=(1,),
        in_specs=[
            pl.BlockSpec((T, D), lambda i: (0, 0)),
            pl.BlockSpec((E, D), lambda i: (0, 0)),
        ],
        out_specs=[
            pl.BlockSpec((T, E), lambda i: (0, 0)),
            pl.BlockSpec((NA // 128, 128), lambda i: (0, 0)),
            pl.BlockSpec((2, T), lambda i: (0, 0)),
            pl.BlockSpec((NB, 1), lambda i: (0, 0)),
            pl.BlockSpec((T, PC, 128), lambda i: (0, 0, 0)),
        ],
        out_shape=[
            jax.ShapeDtypeStruct((T, E), jnp.float32),
            jax.ShapeDtypeStruct((NA // 128, 128), jnp.int32),
            jax.ShapeDtypeStruct((2, T), jnp.float32),
            jax.ShapeDtypeStruct((NB, 1), jnp.int32),
            jax.ShapeDtypeStruct((T, PC, 128), jnp.int32),
        ],
    )(x, gate_w)


TBS = 1024


def _shared_kernel(x_ref, sg_ref, su_ref, sd_ref, segw_ref, shared_ref):
    x = x_ref[...]
    x16 = x.astype(jnp.bfloat16)
    sg16 = sg_ref[...].astype(jnp.bfloat16)
    su16 = su_ref[...].astype(jnp.bfloat16)
    sd16 = sd_ref[...].astype(jnp.bfloat16)
    g = jax.lax.dot_general(x16, sg16, (((1,), (1,)), ((), ())),
                            preferred_element_type=jnp.float32)
    u = jax.lax.dot_general(x16, su16, (((1,), (1,)), ((), ())),
                            preferred_element_type=jnp.float32)
    h = (_silu(g) * u).astype(jnp.bfloat16)
    ys = jax.lax.dot_general(h, sd16, (((1,), (1,)), ((), ())),
                             preferred_element_type=jnp.float32)
    sgl = jax.lax.dot_general(x, segw_ref[...], (((1,), (1,)), ((), ())),
                              precision=jax.lax.Precision.DEFAULT,
                              preferred_element_type=jnp.float32)
    shared_ref[...] = jax.nn.sigmoid(sgl) * ys


def _shared(x, sgw, suw, sdw, segw):
    return pl.pallas_call(
        _shared_kernel,
        grid=(T // TBS,),
        in_specs=[
            pl.BlockSpec((TBS, D), lambda t: (t, 0)),
            pl.BlockSpec((D_FF, D), lambda t: (0, 0)),
            pl.BlockSpec((D_FF, D), lambda t: (0, 0)),
            pl.BlockSpec((D, D_FF), lambda t: (0, 0)),
            pl.BlockSpec((1, D), lambda t: (0, 0)),
        ],
        out_specs=pl.BlockSpec((TBS, D), lambda t: (t, 0)),
        out_shape=jax.ShapeDtypeStruct((T, D), jnp.float32),
    )(x, sgw, suw, sdw, segw)


def _sc_dispatch(xp3, pos):
    info = plsc.get_sparse_core_info()
    nw = info.num_cores * info.num_subcores
    bpw = NA // nw
    mesh = plsc.VectorSubcoreMesh(core_axis_name="c", subcore_axis_name="s")

    @functools.partial(
        pl.kernel, mesh=mesh,
        out_type=jax.ShapeDtypeStruct((P, PC, 128), jnp.int32),
        scratch_types=[
            pltpu.VMEM((bpw,), jnp.int32),
            pltpu.VMEM((bpw,), jnp.int32),
            pltpu.VMEM((bpw, PC, 128), jnp.int32),
            pltpu.SemaphoreType.DMA,
            pltpu.SemaphoreType.DMA,
        ],
    )
    def k(x_hbm, pos_hbm, xs_hbm, tok_v, pos_v, rows_v, sem_g, sem_s):
        wid = lax.axis_index("s") * info.num_cores + lax.axis_index("c")
        base = wid * bpw
        tbase = jnp.where(base >= T, base - T, base)
        for c in range(bpw // 16):
            tok_v[pl.ds(c * 16, 16)] = tbase + c * 16 + lax.iota(jnp.int32, 16)
        pltpu.sync_copy(pos_hbm.at[pl.ds(base, bpw)], pos_v)
        pltpu.async_copy(x_hbm.at[tok_v], rows_v, sem_g).wait()
        pltpu.async_copy(rows_v, xs_hbm.at[pos_v], sem_s).wait()

    return k(xp3, pos)


def _ffn_kernel(be_ref, xs_ref, wg_ref, wu_ref, wd_ref, y_ref):
    xb = _unpack2(_from_slabs(xs_ref[...]))
    wg16 = wg_ref[0].astype(jnp.bfloat16)
    wu16 = wu_ref[0].astype(jnp.bfloat16)
    wd16 = wd_ref[0].astype(jnp.bfloat16)
    g = jax.lax.dot_general(xb, wg16, (((1,), (1,)), ((), ())),
                            preferred_element_type=jnp.float32)
    u = jax.lax.dot_general(xb, wu16, (((1,), (1,)), ((), ())),
                            preferred_element_type=jnp.float32)
    h = (_silu(g) * u).astype(jnp.bfloat16)
    y = jax.lax.dot_general(h, wd16, (((1,), (1,)), ((), ())),
                            preferred_element_type=jnp.float32)
    y_ref[...] = _to_slabs(_pack2(y))


def _expert_ffn(xs3, be, wg, wu, wd):
    return pl.pallas_call(
        _ffn_kernel,
        grid_spec=pltpu.PrefetchScalarGridSpec(
            num_scalar_prefetch=1,
            grid=(NB,),
            in_specs=[
                pl.BlockSpec((BT, PC, 128), lambda b, be_ref: (b, 0, 0)),
                pl.BlockSpec((1, D_FF, D), lambda b, be_ref: (be_ref[b], 0, 0)),
                pl.BlockSpec((1, D_FF, D), lambda b, be_ref: (be_ref[b], 0, 0)),
                pl.BlockSpec((1, D, D_FF), lambda b, be_ref: (be_ref[b], 0, 0)),
            ],
            out_specs=pl.BlockSpec((BT, PC, 128), lambda b, be_ref: (b, 0, 0)),
        ),
        out_shape=jax.ShapeDtypeStruct((P, PC, 128), jnp.int32),
    )(be, xs3, wg, wu, wd)


def _sc_combine(y3, pos):
    info = plsc.get_sparse_core_info()
    nw = info.num_cores * info.num_subcores
    bpw = NA // nw
    mesh = plsc.VectorSubcoreMesh(core_axis_name="c", subcore_axis_name="s")

    @functools.partial(
        pl.kernel, mesh=mesh,
        out_type=jax.ShapeDtypeStruct((NA, PC, 128), jnp.int32),
        scratch_types=[
            pltpu.VMEM((bpw,), jnp.int32),
            pltpu.VMEM((bpw, PC, 128), jnp.int32),
            pltpu.SemaphoreType.DMA,
        ],
    )
    def k(y_hbm, pos_hbm, out_hbm, pos_v, rows_v, sem):
        wid = lax.axis_index("s") * info.num_cores + lax.axis_index("c")
        base = wid * bpw
        pltpu.sync_copy(pos_hbm.at[pl.ds(base, bpw)], pos_v)
        pltpu.async_copy(y_hbm.at[pos_v], rows_v, sem).wait()
        pltpu.sync_copy(rows_v, out_hbm.at[pl.ds(base, bpw)])

    return k(y3, pos)


TB5 = 512


def _final_kernel(y0_ref, y1_ref, w_t_ref, shared_ref, out_ref):
    y0 = _unpack2(_from_slabs(y0_ref[...])).astype(jnp.float32)
    y1 = _unpack2(_from_slabs(y1_ref[...])).astype(jnp.float32)
    w = w_t_ref[...]
    w0 = w[0:1, :].T
    w1 = w[1:2, :].T
    out_ref[...] = w0 * y0 + w1 * y1 + shared_ref[...]


def _final(y01, w_t, shared):
    n_tb = T // TB5
    return pl.pallas_call(
        _final_kernel,
        grid=(n_tb,),
        in_specs=[
            pl.BlockSpec((TB5, PC, 128), lambda t: (t, 0, 0)),
            pl.BlockSpec((TB5, PC, 128), lambda t: (t + T // TB5, 0, 0)),
            pl.BlockSpec((2, TB5), lambda t: (0, t)),
            pl.BlockSpec((TB5, D), lambda t: (t, 0)),
        ],
        out_specs=pl.BlockSpec((TB5, D), lambda t: (t, 0)),
        out_shape=jax.ShapeDtypeStruct((T, D), jnp.float32),
    )(y01, y01, w_t, shared)


def kernel(hidden_states, gate_w, expert_gate_w, expert_up_w, expert_down_w,
           shared_gate_w, shared_up_w, shared_down_w, shared_expert_gate_w):
    b, s, d = hidden_states.shape
    x = hidden_states.reshape(-1, d)

    logits, pos_p, w_t, be, xp = _router(x, gate_w)
    pos = pos_p.reshape(NA)
    xs = _sc_dispatch(xp, pos)
    shared = _shared(x, shared_gate_w, shared_up_w, shared_down_w,
                     shared_expert_gate_w)
    y = _expert_ffn(xs, be.reshape(NB), expert_gate_w, expert_up_w, expert_down_w)
    y01 = _sc_combine(y, pos)
    out = _final(y01, w_t, shared)
    return (out.reshape(b, s, d), logits)

# --- scband reference (transcript-rebuilt; emitter-appended) ---
"""Pipeline reference for scband-qwen2-moe-sparse-moe-blockwith-cache-29429115912761 (READ-ONLY COPY).

The authoritative reference and input builder live on the scoring server;
editing this copy changes nothing except your own understanding.
"""

import jax, jax.numpy as jnp
import numpy as np

E = 8
TOP_K = 2
D = 1024
D_FF = 512
B = 1
S = 2048
NORM_TOPK_PROB = False


def _silu(x):
    return x * jax.nn.sigmoid(x)


def setup_inputs(seed: int = 0) -> dict:
    key = jax.random.key(seed)
    ks = jax.random.split(key, 10)
    def sc(fan_in):
        return 1.0 / np.sqrt(fan_in)
    hidden_states = jax.random.normal(ks[0], (B, S, D), dtype=jnp.float32)
    gate_w = jax.random.normal(ks[1], (E, D), dtype=jnp.float32) * sc(D)
    expert_gate_w = jax.random.normal(ks[2], (E, D_FF, D), dtype=jnp.float32) * sc(D)
    expert_up_w = jax.random.normal(ks[3], (E, D_FF, D), dtype=jnp.float32) * sc(D)
    expert_down_w = jax.random.normal(ks[4], (E, D, D_FF), dtype=jnp.float32) * sc(D_FF)
    shared_gate_w = jax.random.normal(ks[5], (D_FF, D), dtype=jnp.float32) * sc(D)
    shared_up_w = jax.random.normal(ks[6], (D_FF, D), dtype=jnp.float32) * sc(D)
    shared_down_w = jax.random.normal(ks[7], (D, D_FF), dtype=jnp.float32) * sc(D_FF)
    shared_expert_gate_w = jax.random.normal(ks[8], (1, D), dtype=jnp.float32) * sc(D)
    return {
        'hidden_states': hidden_states,
        'gate_w': gate_w,
        'expert_gate_w': expert_gate_w,
        'expert_up_w': expert_up_w,
        'expert_down_w': expert_down_w,
        'shared_gate_w': shared_gate_w,
        'shared_up_w': shared_up_w,
        'shared_down_w': shared_down_w,
        'shared_expert_gate_w': shared_expert_gate_w,
    }


def reference(hidden_states, gate_w, expert_gate_w, expert_up_w, expert_down_w,
              shared_gate_w, shared_up_w, shared_down_w, shared_expert_gate_w):
    b, s, d = hidden_states.shape
    x = hidden_states.reshape(-1, d)
    T = x.shape[0]
    # router
    router_logits = x @ gate_w.T
    routing_weights = jax.nn.softmax(router_logits.astype(jnp.float32), axis=1)
    topk_weight, topk_idx = jax.lax.top_k(routing_weights, TOP_K)
    if NORM_TOPK_PROB:
        topk_weight = topk_weight / jnp.sum(topk_weight, axis=-1, keepdims=True)
    # scatter top-k weights into a dense [T, E] combine matrix (zero for unselected experts)
    combine = jnp.zeros((T, E), dtype=jnp.float32)
    combine = combine.at[jnp.arange(T)[:, None], topk_idx].add(topk_weight)
    combine = combine.astype(x.dtype)
    # expert MLPs (dense compute, sparse combine -> mathematically identical to
    # per-expert gather/index_add dispatch in the original module)
    g = jnp.einsum('td,efd->tef', x, expert_gate_w)
    u = jnp.einsum('td,efd->tef', x, expert_up_w)
    h = _silu(g) * u
    expert_out = jnp.einsum('tef,edf->ted', h, expert_down_w)
    final = jnp.einsum('ted,te->td', expert_out, combine)
    # shared expert with sigmoid gate
    shared = (_silu(x @ shared_gate_w.T) * (x @ shared_up_w.T)) @ shared_down_w.T
    shared_gate = jax.nn.sigmoid(x @ shared_expert_gate_w.T)
    final = final + shared_gate * shared
    final = final.reshape(b, s, d)
    return (final, router_logits)

if __name__ == "__main__":
    import jax
    _d = setup_inputs()
    print(jax.jit(kernel)(*tuple(_d.values())))

</pallas_src>

<mosaic_0001>
#map = affine_map<(d0, d1) -> (0, 0, 0)>
#map1 = affine_map<(d0, d1) -> (0)>
module attributes {stable_mosaic.version = 14 : i64} {
  func.func @k(%arg0: i32, %arg1: i32, %arg2: memref<2048x4x128xi32, #tpu.memory_space<hbm>>, %arg3: memref<4096xi32, #tpu.memory_space<hbm>>, %arg4: memref<6144x4x128xi32, #tpu.memory_space<hbm>>, %arg5: memref<128xi32, #tpu.memory_space<vmem>>, %arg6: memref<128xi32, #tpu.memory_space<vmem>>, %arg7: memref<128x4x128xi32, #tpu.memory_space<vmem>>, %arg8: memref<!tpu.dma_semaphore, #tpu.memory_space<semaphore_mem>>, %arg9: memref<!tpu.dma_semaphore, #tpu.memory_space<semaphore_mem>>) attributes {dimension_semantics = [#tpu.dimension_semantics<core_parallel>, #tpu.dimension_semantics<subcore_parallel>], iteration_bounds = array<i64: 2, 16>, scalar_prefetch = 0 : i64, scratch_operands = 5 : i64, tpu.core_type = #tpu.core_type<sc_vector_subcore>, window_params = [{transform_indices = #map}, {transform_indices = #map1}, {transform_indices = #map}]} {
    %mul3A = arith.constant 2 : i32
    %mul3A_0 = arith.muli %arg1, %mul3A : i32
    %add3A = arith.addi %mul3A_0, %arg0 : i32
    %mul3A_1 = arith.constant 128 : i32
    %mul3A_2 = arith.muli %add3A, %mul3A_1 : i32
    %ge3A = arith.constant 2048 : i32
    %ge3A_3 = arith.cmpi sge, %mul3A_2, %ge3A : i32
    %sub3A = arith.constant 2048 : i32
    %sub3A_4 = arith.subi %mul3A_2, %sub3A : i32
    %select_n3A = arith.select %ge3A_3, %sub3A_4, %mul3A_2 : i32
    %add3A_5 = arith.constant 0 : i32
    %add3A_6 = arith.addi %select_n3A, %add3A_5 : i32
    %iota3A = tpu.iota {dimensions = array<i32: 0>} : vector<16xi32>
    %add3A_7 = vector.broadcast %add3A_6 : i32 to vector<16xi32>
    %add3A_8 = arith.addi %add3A_7, %iota3A : vector<16xi32>
    %swap3A = arith.constant 0 : index
    %swap3A_9 = tpu.vector_load %arg5[%swap3A] {strides = array<i32>} : memref<128xi32, #tpu.memory_space<vmem>>, vector<16xi32>,
    %swap3A_10 = vector.shape_cast %swap3A_9 : vector<16xi32> to vector<16xi32>
    %swap3A_11 = vector.shape_cast %add3A_8 : vector<16xi32> to vector<16xi32>
    tpu.vector_store %arg5[%swap3A], %swap3A_11 {strides = array<i32>} : memref<128xi32, #tpu.memory_space<vmem>>, vector<16xi32>,
    %add3A_12 = arith.constant 16 : i32
    %add3A_13 = arith.addi %select_n3A, %add3A_12 : i32
    %iota3A_14 = tpu.iota {dimensions = array<i32: 0>} : vector<16xi32>
    %add3A_15 = vector.broadcast %add3A_13 : i32 to vector<16xi32>
    %add3A_16 = arith.addi %add3A_15, %iota3A_14 : vector<16xi32>
    %swap3A_17 = arith.constant 16 : index
    %swap3A_18 = tpu.vector_load %arg5[%swap3A_17] {strides = array<i32>} : memref<128xi32, #tpu.memory_space<vmem>>, vector<16xi32>,
    %swap3A_19 = vector.shape_cast %swap3A_18 : vector<16xi32> to vector<16xi32>
    %swap3A_20 = vector.shape_cast %add3A_16 : vector<16xi32> to vector<16xi32>
    tpu.vector_store %arg5[%swap3A_17], %swap3A_20 {strides = array<i32>} : memref<128xi32, #tpu.memory_space<vmem>>, vector<16xi32>,
    %add3A_21 = arith.constant 32 : i32
    %add3A_22 = arith.addi %select_n3A, %add3A_21 : i32
    %iota3A_23 = tpu.iota {dimensions = array<i32: 0>} : vector<16xi32>
    %add3A_24 = vector.broadcast %add3A_22 : i32 to vector<16xi32>
    %add3A_25 = arith.addi %add3A_24, %iota3A_23 : vector<16xi32>
    %swap3A_26 = arith.constant 32 : index
    %swap3A_27 = tpu.vector_load %arg5[%swap3A_26] {strides = array<i32>} : memref<128xi32, #tpu.memory_space<vmem>>, vector<16xi32>,
    %swap3A_28 = vector.shape_cast %swap3A_27 : vector<16xi32> to vector<16xi32>
    %swap3A_29 = vector.shape_cast %add3A_25 : vector<16xi32> to vector<16xi32>
    tpu.vector_store %arg5[%swap3A_26], %swap3A_29 {strides = array<i32>} : memref<128xi32, #tpu.memory_space<vmem>>, vector<16xi32>,
    %add3A_30 = arith.constant 48 : i32
    %add3A_31 = arith.addi %select_n3A, %add3A_30 : i32
    %iota3A_32 = tpu.iota {dimensions = array<i32: 0>} : vector<16xi32>
    %add3A_33 = vector.broadcast %add3A_31 : i32 to vector<16xi32>
    %add3A_34 = arith.addi %add3A_33, %iota3A_32 : vector<16xi32>
    %swap3A_35 = arith.constant 48 : index
    %swap3A_36 = tpu.vector_load %arg5[%swap3A_35] {strides = array<i32>} : memref<128xi32, #tpu.memory_space<vmem>>, vector<16xi32>,
    %swap3A_37 = vector.shape_cast %swap3A_36 : vector<16xi32> to vector<16xi32>
    %swap3A_38 = vector.shape_cast %add3A_34 : vector<16xi32> to vector<16xi32>
    tpu.vector_store %arg5[%swap3A_35], %swap3A_38 {strides = array<i32>} : memref<128xi32, #tpu.memory_space<vmem>>, vector<16xi32>,
    %add3A_39 = arith.constant 64 : i32
    %add3A_40 = arith.addi %select_n3A, %add3A_39 : i32
    %iota3A_41 = tpu.iota {dimensions = array<i32: 0>} : vector<16xi32>
    %add3A_42 = vector.broadcast %add3A_40 : i32 to vector<16xi32>
    %add3A_43 = arith.addi %add3A_42, %iota3A_41 : vector<16xi32>
    %swap3A_44 = arith.constant 64 : index
    %swap3A_45 = tpu.vector_load %arg5[%swap3A_44] {strides = array<i32>} : memref<128xi32, #tpu.memory_space<vmem>>, vector<16xi32>,
    %swap3A_46 = vector.shape_cast %swap3A_45 : vector<16xi32> to vector<16xi32>
    %swap3A_47 = vector.shape_cast %add3A_43 : vector<16xi32> to vector<16xi32>
    tpu.vector_store %arg5[%swap3A_44], %swap3A_47 {strides = array<i32>} : memref<128xi32, #tpu.memory_space<vmem>>, vector<16xi32>,
    %add3A_48 = arith.constant 80 : i32
    %add3A_49 = arith.addi %select_n3A, %add3A_48 : i32
    %iota3A_50 = tpu.iota {dimensions = array<i32: 0>} : vector<16xi32>
    %add3A_51 = vector.broadcast %add3A_49 : i32 to vector<16xi32>
    %add3A_52 = arith.addi %add3A_51, %iota3A_50 : vector<16xi32>
    %swap3A_53 = arith.constant 80 : index
    %swap3A_54 = tpu.vector_load %arg5[%swap3A_53] {strides = array<i32>} : memref<128xi32, #tpu.memory_space<vmem>>, vector<16xi32>,
    %swap3A_55 = vector.shape_cast %swap3A_54 : vector<16xi32> to vector<16xi32>
    %swap3A_56 = vector.shape_cast %add3A_52 : vector<16xi32> to vector<16xi32>
    tpu.vector_store %arg5[%swap3A_53], %swap3A_56 {strides = array<i32>} : memref<128xi32, #tpu.memory_space<vmem>>, vector<16xi32>,
    %add3A_57 = arith.constant 96 : i32
    %add3A_58 = arith.addi %select_n3A, %add3A_57 : i32
    %iota3A_59 = tpu.iota {dimensions = array<i32: 0>} : vector<16xi32>
    %add3A_60 = vector.broadcast %add3A_58 : i32 to vector<16xi32>
    %add3A_61 = arith.addi %add3A_60, %iota3A_59 : vector<16xi32>
    %swap3A_62 = arith.constant 96 : index
    %swap3A_63 = tpu.vector_load %arg5[%swap3A_62] {strides = array<i32>} : memref<128xi32, #tpu.memory_space<vmem>>, vector<16xi32>,
    %swap3A_64 = vector.shape_cast %swap3A_63 : vector<16xi32> to vector<16xi32>
    %swap3A_65 = vector.shape_cast %add3A_61 : vector<16xi32> to vector<16xi32>
    tpu.vector_store %arg5[%swap3A_62], %swap3A_65 {strides = array<i32>} : memref<128xi32, #tpu.memory_space<vmem>>, vector<16xi32>,
    %add3A_66 = arith.constant 112 : i32
    %add3A_67 = arith.addi %select_n3A, %add3A_66 : i32
    %iota3A_68 = tpu.iota {dimensions = array<i32: 0>} : vector<16xi32>
    %add3A_69 = vector.broadcast %add3A_67 : i32 to vector<16xi32>
    %add3A_70 = arith.addi %add3A_69, %iota3A_68 : vector<16xi32>
    %swap3A_71 = arith.constant 112 : index
    %swap3A_72 = tpu.vector_load %arg5[%swap3A_71] {strides = array<i32>} : memref<128xi32, #tpu.memory_space<vmem>>, vector<16xi32>,
    %swap3A_73 = vector.shape_cast %swap3A_72 : vector<16xi32> to vector<16xi32>
    %swap3A_74 = vector.shape_cast %add3A_70 : vector<16xi32> to vector<16xi32>
    tpu.vector_store %arg5[%swap3A_71], %swap3A_74 {strides = array<i32>} : memref<128xi32, #tpu.memory_space<vmem>>, vector<16xi32>,
    "tpu.region"() ({
      %run_scoped3A = tpu.sem_alloc : memref<!tpu.dma_semaphore, #tpu.memory_space<semaphore_mem>>
      %dma_start3A_89 = tpu.memref_slice %arg3[%mul3A_2] : memref<4096xi32, #tpu.memory_space<hbm>> -> memref<128xi32, #tpu.memory_space<hbm>>
      %dma_start3A_90 = tpu.memref_slice %arg3[%mul3A_2] : memref<4096xi32, #tpu.memory_space<hbm>> -> memref<128xi32, #tpu.memory_space<hbm>>
      tpu.enqueue_dma source(%dma_start3A_90 : memref<128xi32, #tpu.memory_space<hbm>>) target(%arg6 : memref<128xi32, #tpu.memory_space<vmem>>) target_semaphore(%run_scoped3A : memref<!tpu.dma_semaphore, #tpu.memory_space<semaphore_mem>>)
      %dma_wait3A_91 = tpu.memref_slice %arg3[%mul3A_2] : memref<4096xi32, #tpu.memory_space<hbm>> -> memref<128xi32, #tpu.memory_space<hbm>>
      %dma_wait3A_92 = tpu.memref_slice %arg3[%mul3A_2] : memref<4096xi32, #tpu.memory_space<hbm>> -> memref<128xi32, #tpu.memory_space<hbm>>
      tpu.wait_dma2 semaphore(%run_scoped3A : memref<!tpu.dma_semaphore, #tpu.memory_space<semaphore_mem>>) src(%dma_wait3A_92 : memref<128xi32, #tpu.memory_space<hbm>>) dst(%arg6 : memref<128xi32, #tpu.memory_space<vmem>>)
      tpu.yield
    }) : () -> ()
    %dma_start3A = arith.constant 0 : i32
    %dma_start3A_75 = arith.constant 0 : i32
    %dma_start3A_76 = arith.constant 0 : i32
    %dma_start3A_77 = tpu.memref_slice %arg2[%dma_start3A, %dma_start3A_75, %dma_start3A_76] : memref<2048x4x128xi32, #tpu.memory_space<hbm>> -> memref<2048x4x128xi32, #tpu.memory_space<hbm>>
    tpu.enqueue_indirect_dma source(%dma_start3A_77 : memref<2048x4x128xi32, #tpu.memory_space<hbm>>) target(%arg7 : memref<128x4x128xi32, #tpu.memory_space<vmem>>) offsets(%arg5 : memref<128xi32, #tpu.memory_space<vmem>>) semaphore(%arg8 : memref<!tpu.dma_semaphore, #tpu.memory_space<semaphore_mem>>)
    %dma_wait3A = arith.constant 0 : i32
    %dma_wait3A_78 = arith.constant 0 : i32
    %dma_wait3A_79 = arith.constant 0 : i32
    %dma_wait3A_80 = tpu.memref_slice %arg2[%dma_wait3A, %dma_wait3A_78, %dma_wait3A_79] : memref<2048x4x128xi32, #tpu.memory_space<hbm>> -> memref<2048x4x128xi32, #tpu.memory_space<hbm>>
    tpu.wait_indirect_dma semaphore(%arg8 : memref<!tpu.dma_semaphore, #tpu.memory_space<semaphore_mem>>) src(%dma_wait3A_80 : memref<2048x4x128xi32, #tpu.memory_space<hbm>>) dst(%arg7 : memref<128x4x128xi32, #tpu.memory_space<vmem>>)
    %dma_start3A_81 = arith.constant 0 : i32
    %dma_start3A_82 = arith.constant 0 : i32
    %dma_start3A_83 = arith.constant 0 : i32
    %dma_start3A_84 = tpu.memref_slice %arg4[%dma_start3A_81, %dma_start3A_82, %dma_start3A_83] : memref<6144x4x128xi32, #tpu.memory_space<hbm>> -> memref<6144x4x128xi32, #tpu.memory_space<hbm>>
    tpu.enqueue_indirect_dma source(%arg7 : memref<128x4x128xi32, #tpu.memory_space<vmem>>) target(%dma_start3A_84 : memref<6144x4x128xi32, #tpu.memory_space<hbm>>) offsets(%arg6 : memref<128xi32, #tpu.memory_space<vmem>>) semaphore(%arg9 : memref<!tpu.dma_semaphore, #tpu.memory_space<semaphore_mem>>)
    %dma_wait3A_85 = arith.constant 0 : i32
    %dma_wait3A_86 = arith.constant 0 : i32
    %dma_wait3A_87 = arith.constant 0 : i32
    %dma_wait3A_88 = tpu.memref_slice %arg4[%dma_wait3A_85, %dma_wait3A_86, %dma_wait3A_87] : memref<6144x4x128xi32, #tpu.memory_space<hbm>> -> memref<6144x4x128xi32, #tpu.memory_space<hbm>>
    tpu.wait_indirect_dma semaphore(%arg9 : memref<!tpu.dma_semaphore, #tpu.memory_space<semaphore_mem>>) src(%arg7 : memref<128x4x128xi32, #tpu.memory_space<vmem>>) dst(%dma_wait3A_88 : memref<6144x4x128xi32, #tpu.memory_space<hbm>>)
    return
  }
}

#map = affine_map<(d0, d1) -> (0, 0, 0)>
#map1 = affine_map<(d0, d1) -> (0)>
module attributes {stable_mosaic.version = 14 : i64} {
  func.func @k(%arg0: i32, %arg1: i32, %arg2: memref<6144x4x128xi32, #tpu.memory_space<hbm>>, %arg3: memref<4096xi32, #tpu.memory_space<hbm>>, %arg4: memref<4096x4x128xi32, #tpu.memory_space<hbm>>, %arg5: memref<128xi32, #tpu.memory_space<vmem>>, %arg6: memref<128x4x128xi32, #tpu.memory_space<vmem>>, %arg7: memref<!tpu.dma_semaphore, #tpu.memory_space<semaphore_mem>>) attributes {dimension_semantics = [#tpu.dimension_semantics<core_parallel>, #tpu.dimension_semantics<subcore_parallel>], iteration_bounds = array<i64: 2, 16>, scalar_prefetch = 0 : i64, scratch_operands = 3 : i64, tpu.core_type = #tpu.core_type<sc_vector_subcore>, window_params = [{transform_indices = #map}, {transform_indices = #map1}, {transform_indices = #map}]} {
    %mul3A = arith.constant 2 : i32
    %mul3A_0 = arith.muli %arg1, %mul3A : i32
    %add3A = arith.addi %mul3A_0, %arg0 : i32
    %mul3A_1 = arith.constant 128 : i32
    %mul3A_2 = arith.muli %add3A, %mul3A_1 : i32
    "tpu.region"() ({
      %run_scoped3A = tpu.sem_alloc : memref<!tpu.dma_semaphore, #tpu.memory_space<semaphore_mem>>
      %dma_start3A_9 = tpu.memref_slice %arg3[%mul3A_2] : memref<4096xi32, #tpu.memory_space<hbm>> -> memref<128xi32, #tpu.memory_space<hbm>>
      %dma_start3A_10 = tpu.memref_slice %arg3[%mul3A_2] : memref<4096xi32, #tpu.memory_space<hbm>> -> memref<128xi32, #tpu.memory_space<hbm>>
      tpu.enqueue_dma source(%dma_start3A_10 : memref<128xi32, #tpu.memory_space<hbm>>) target(%arg5 : memref<128xi32, #tpu.memory_space<vmem>>) target_semaphore(%run_scoped3A : memref<!tpu.dma_semaphore, #tpu.memory_space<semaphore_mem>>)
      %dma_wait3A_11 = tpu.memref_slice %arg3[%mul3A_2] : memref<4096xi32, #tpu.memory_space<hbm>> -> memref<128xi32, #tpu.memory_space<hbm>>
      %dma_wait3A_12 = tpu.memref_slice %arg3[%mul3A_2] : memref<4096xi32, #tpu.memory_space<hbm>> -> memref<128xi32, #tpu.memory_space<hbm>>
      tpu.wait_dma2 semaphore(%run_scoped3A : memref<!tpu.dma_semaphore, #tpu.memory_space<semaphore_mem>>) src(%dma_wait3A_12 : memref<128xi32, #tpu.memory_space<hbm>>) dst(%arg5 : memref<128xi32, #tpu.memory_space<vmem>>)
      tpu.yield
    }) : () -> ()
    %dma_start3A = arith.constant 0 : i32
    %dma_start3A_3 = arith.constant 0 : i32
    %dma_start3A_4 = arith.constant 0 : i32
    %dma_start3A_5 = tpu.memref_slice %arg2[%dma_start3A, %dma_start3A_3, %dma_start3A_4] : memref<6144x4x128xi32, #tpu.memory_space<hbm>> -> memref<6144x4x128xi32, #tpu.memory_space<hbm>>
    tpu.enqueue_indirect_dma source(%dma_start3A_5 : memref<6144x4x128xi32, #tpu.memory_space<hbm>>) target(%arg6 : memref<128x4x128xi32, #tpu.memory_space<vmem>>) offsets(%arg5 : memref<128xi32, #tpu.memory_space<vmem>>) semaphore(%arg7 : memref<!tpu.dma_semaphore, #tpu.memory_space<semaphore_mem>>)
    %dma_wait3A = arith.constant 0 : i32
    %dma_wait3A_6 = arith.constant 0 : i32
    %dma_wait3A_7 = arith.constant 0 : i32
    %dma_wait3A_8 = tpu.memref_slice %arg2[%dma_wait3A, %dma_wait3A_6, %dma_wait3A_7] : memref<6144x4x128xi32, #tpu.memory_space<hbm>> -> memref<6144x4x128xi32, #tpu.memory_space<hbm>>
    tpu.wait_indirect_dma semaphore(%arg7 : memref<!tpu.dma_semaphore, #tpu.memory_space<semaphore_mem>>) src(%dma_wait3A_8 : memref<6144x4x128xi32, #tpu.memory_space<hbm>>) dst(%arg6 : memref<128x4x128xi32, #tpu.memory_space<vmem>>)
    "tpu.region"() ({
      %run_scoped3A = tpu.sem_alloc : memref<!tpu.dma_semaphore, #tpu.memory_space<semaphore_mem>>
      %dma_start3A_9 = arith.constant 0 : i32
      %dma_start3A_10 = arith.constant 0 : i32
      %dma_start3A_11 = tpu.memref_slice %arg4[%mul3A_2, %dma_start3A_9, %dma_start3A_10] : memref<4096x4x128xi32, #tpu.memory_space<hbm>> -> memref<128x4x128xi32, #tpu.memory_space<hbm>>
      %dma_start3A_12 = arith.constant 0 : i32
      %dma_start3A_13 = arith.constant 0 : i32
      %dma_start3A_14 = tpu.memref_slice %arg4[%mul3A_2, %dma_start3A_12, %dma_start3A_13] : memref<4096x4x128xi32, #tpu.memory_space<hbm>> -> memref<128x4x128xi32, #tpu.memory_space<hbm>>
      tpu.enqueue_dma source(%arg6 : memref<128x4x128xi32, #tpu.memory_space<vmem>>) target(%dma_start3A_14 : memref<128x4x128xi32, #tpu.memory_space<hbm>>) target_semaphore(%run_scoped3A : memref<!tpu.dma_semaphore, #tpu.memory_space<semaphore_mem>>)
      %dma_wait3A_15 = arith.constant 0 : i32
      %dma_wait3A_16 = arith.constant 0 : i32
      %dma_wait3A_17 = tpu.memref_slice %arg4[%mul3A_2, %dma_wait3A_15, %dma_wait3A_16] : memref<4096x4x128xi32, #tpu.memory_space<hbm>> -> memref<128x4x128xi32, #tpu.memory_space<hbm>>
      %dma_wait3A_18 = arith.constant 0 : i32
      %dma_wait3A_19 = arith.constant 0 : i32
      %dma_wait3A_20 = tpu.memref_slice %arg4[%mul3A_2, %dma_wait3A_18, %dma_wait3A_19] : memref<4096x4x128xi32, #tpu.memory_space<hbm>> -> memref<128x4x128xi32, #tpu.memory_space<hbm>>
      tpu.wait_dma2 semaphore(%run_scoped3A : memref<!tpu.dma_semaphore, #tpu.memory_space<semaphore_mem>>) src(%arg6 : memref<128x4x128xi32, #tpu.memory_space<vmem>>) dst(%dma_wait3A_20 : memref<128x4x128xi32, #tpu.memory_space<hbm>>)
      tpu.yield
    }) : () -> ()
    return
  }
}

module attributes {stable_mosaic.version = 14 : i64} {
  func.func @_ffn_kernel(%arg0: i32, %arg1: memref<24xi32, #tpu.memory_space<smem>>, %arg2: memref<256x4x128xi32, #tpu.memory_space<vmem>>, %arg3: memref<1x512x1024xf32, #tpu.memory_space<vmem>>, %arg4: memref<1x512x1024xf32, #tpu.memory_space<vmem>>, %arg5: memref<1x1024x512xf32, #tpu.memory_space<vmem>>, %arg6: memref<256x4x128xi32, #tpu.memory_space<vmem>>) attributes {dimension_semantics = [#tpu.dimension_semantics<arbitrary>], iteration_bounds = array<i64: 24>, scalar_prefetch = 1 : i64, scratch_operands = 0 : i64, tpu.core_type = #tpu.core_type<tc>, window_params = [{transform_indices = @transform_0, window_bounds = array<i64: 256, 4, 128>}, {transform_indices = @transform_1, window_bounds = array<i64: 1, 512, 1024>}, {transform_indices = @transform_2, window_bounds = array<i64: 1, 512, 1024>}, {transform_indices = @transform_3, window_bounds = array<i64: 1, 1024, 512>}, {transform_indices = @transform_4, window_bounds = array<i64: 256, 4, 128>}]} {
    %get3A = arith.constant 0 : index
    %get3A_0 = arith.constant 0 : index
    %get3A_1 = arith.constant 0 : index
    %get3A_2 = vector.load %arg2[%get3A, %get3A_0, %get3A_1] : memref<256x4x128xi32, #tpu.memory_space<vmem>>, vector<256x4x128xi32>
    %slice3A = vector.extract_strided_slice %get3A_2 {offsets = [0, 0, 0], sizes = [256, 1, 128], strides = [1, 1, 1]} : vector<256x4x128xi32> to vector<256x1x128xi32>
    %squeeze3A = vector.shape_cast %slice3A : vector<256x1x128xi32> to vector<256x128xi32>
    %slice3A_3 = vector.extract_strided_slice %get3A_2 {offsets = [0, 1, 0], sizes = [256, 1, 128], strides = [1, 1, 1]} : vector<256x4x128xi32> to vector<256x1x128xi32>
    %squeeze3A_4 = vector.shape_cast %slice3A_3 : vector<256x1x128xi32> to vector<256x128xi32>
    %slice3A_5 = vector.extract_strided_slice %get3A_2 {offsets = [0, 2, 0], sizes = [256, 1, 128], strides = [1, 1, 1]} : vector<256x4x128xi32> to vector<256x1x128xi32>
    %squeeze3A_6 = vector.shape_cast %slice3A_5 : vector<256x1x128xi32> to vector<256x128xi32>
    %slice3A_7 = vector.extract_strided_slice %get3A_2 {offsets = [0, 3, 0], sizes = [256, 1, 128], strides = [1, 1, 1]} : vector<256x4x128xi32> to vector<256x1x128xi32>
    %squeeze3A_8 = vector.shape_cast %slice3A_7 : vector<256x1x128xi32> to vector<256x128xi32>
    %concatenate3A = tpu.concatenate %squeeze3A, %squeeze3A_4, %squeeze3A_6, %squeeze3A_8 in 1 : vector<256x128xi32>, vector<256x128xi32>, vector<256x128xi32>, vector<256x128xi32> -> vector<256x512xi32>
    %shift_left3A = arith.constant 16 : i32
    %shift_left3A_9 = vector.broadcast %shift_left3A : i32 to vector<256x512xi32>
    %shift_left3A_10 = arith.shli %concatenate3A, %shift_left3A_9 : vector<256x512xi32>
    %bitcast_convert_type3A = tpu.bitcast %shift_left3A_10 : vector<256x512xi32> -> vector<256x512xf32>
    %and3A = arith.constant -65536 : i32
    %and3A_11 = vector.broadcast %and3A : i32 to vector<256x512xi32>
    %and3A_12 = arith.andi %concatenate3A, %and3A_11 : vector<256x512xi32>
    %bitcast_convert_type3A_13 = tpu.bitcast %and3A_12 : vector<256x512xi32> -> vector<256x512xf32>
    %concatenate3A_14 = tpu.concatenate %bitcast_convert_type3A, %bitcast_convert_type3A_13 in 1 : vector<256x512xf32>, vector<256x512xf32> -> vector<256x1024xf32>
    %convert_element_type3A = arith.truncf %concatenate3A_14 : vector<256x1024xf32> to vector<256x1024xbf16>
    %get3A_15 = arith.constant 0 : index
    %get3A_16 = arith.constant 0 : index
    %get3A_17 = arith.constant 0 : index
    %get3A_18 = vector.load %arg3[%get3A_15, %get3A_16, %get3A_17] : memref<1x512x1024xf32, #tpu.memory_space<vmem>>, vector<1x512x1024xf32>
    %get3A_19 = vector.shape_cast %get3A_18 : vector<1x512x1024xf32> to vector<512x1024xf32>
    %convert_element_type3A_20 = arith.truncf %get3A_19 : vector<512x1024xf32> to vector<512x1024xbf16>
    %get3A_21 = arith.constant 0 : index
    %get3A_22 = arith.constant 0 : index
    %get3A_23 = arith.constant 0 : index
    %get3A_24 = vector.load %arg4[%get3A_21, %get3A_22, %get3A_23] : memref<1x512x1024xf32, #tpu.memory_space<vmem>>, vector<1x512x1024xf32>
    %get3A_25 = vector.shape_cast %get3A_24 : vector<1x512x1024xf32> to vector<512x1024xf32>
    %convert_element_type3A_26 = arith.truncf %get3A_25 : vector<512x1024xf32> to vector<512x1024xbf16>
    %get3A_27 = arith.constant 0 : index
    %get3A_28 = arith.constant 0 : index
    %get3A_29 = arith.constant 0 : index
    %get3A_30 = vector.load %arg5[%get3A_27, %get3A_28, %get3A_29] : memref<1x1024x512xf32, #tpu.memory_space<vmem>>, vector<1x1024x512xf32>
    %get3A_31 = vector.shape_cast %get3A_30 : vector<1x1024x512xf32> to vector<1024x512xf32>
    %convert_element_type3A_32 = arith.truncf %get3A_31 : vector<1024x512xf32> to vector<1024x512xbf16>
    %dot_general3A = arith.constant dense<0.000000e+00> : vector<256x512xf32>
    %dot_general3A_33 = tpu.matmul %convert_element_type3A, %convert_element_type3A_20, %dot_general3A {dimension_numbers = #tpu.dot_dimension_numbers<[1], [1], [0], [0], [0, 0, 1, 0], [], []>, transpose_lhs_hint = false} : vector<256x1024xbf16>, vector<512x1024xbf16>, vector<256x512xf32> -> vector<256x512xf32>
    %dot_general3A_34 = arith.constant dense<0.000000e+00> : vector<256x512xf32>
    %dot_general3A_35 = tpu.matmul %convert_element_type3A, %convert_element_type3A_26, %dot_general3A_34 {dimension_numbers = #tpu.dot_dimension_numbers<[1], [1], [0], [0], [0, 0, 1, 0], [], []>, transpose_lhs_hint = false} : vector<256x1024xbf16>, vector<512x1024xbf16>, vector<256x512xf32> -> vector<256x512xf32>
    %logistic3A = arith.negf %dot_general3A_33 : vector<256x512xf32>
    %logistic3A_36 = math.exp %logistic3A : vector<256x512xf32>
    %logistic3A_37 = arith.constant 1.000000e+00 : f32
    %logistic3A_38 = vector.broadcast %logistic3A_37 : f32 to vector<256x512xf32>
    %logistic3A_39 = arith.addf %logistic3A_38, %logistic3A_36 : vector<256x512xf32>
    %logistic3A_40 = arith.divf %logistic3A_38, %logistic3A_39 : vector<256x512xf32>
    %mul3A = arith.mulf %dot_general3A_33, %logistic3A_40 : vector<256x512xf32>
    %mul3A_41 = arith.mulf %mul3A, %dot_general3A_35 : vector<256x512xf32>
    %convert_element_type3A_42 = arith.truncf %mul3A_41 : vector<256x512xf32> to vector<256x512xbf16>
    %dot_general3A_43 = arith.constant dense<0.000000e+00> : vector<256x1024xf32>
    %dot_general3A_44 = tpu.matmul %convert_element_type3A_42, %convert_element_type3A_32, %dot_general3A_43 {dimension_numbers = #tpu.dot_dimension_numbers<[1], [1], [0], [0], [0, 0, 1, 0], [], []>, transpose_lhs_hint = false} : vector<256x512xbf16>, vector<1024x512xbf16>, vector<256x1024xf32> -> vector<256x1024xf32>
    %slice3A_45 = vector.extract_strided_slice %dot_general3A_44 {offsets = [0, 0], sizes = [256, 512], strides = [1, 1]} : vector<256x1024xf32> to vector<256x512xf32>
    %convert_element_type3A_46 = arith.truncf %slice3A_45 : vector<256x512xf32> to vector<256x512xbf16>
    %bitcast_convert_type3A_47 = tpu.bitcast %convert_element_type3A_46 : vector<256x512xbf16> -> vector<256x512xi16>
    %convert_element_type3A_48 = arith.extui %bitcast_convert_type3A_47 : vector<256x512xi16> to vector<256x512xi32>
    %slice3A_49 = vector.extract_strided_slice %dot_general3A_44 {offsets = [0, 512], sizes = [256, 512], strides = [1, 1]} : vector<256x1024xf32> to vector<256x512xf32>
    %convert_element_type3A_50 = arith.truncf %slice3A_49 : vector<256x512xf32> to vector<256x512xbf16>
    %bitcast_convert_type3A_51 = tpu.bitcast %convert_element_type3A_50 : vector<256x512xbf16> -> vector<256x512xi16>
    %convert_element_type3A_52 = arith.extui %bitcast_convert_type3A_51 : vector<256x512xi16> to vector<256x512xi32>
    %shift_left3A_53 = arith.constant 16 : i32
    %shift_left3A_54 = vector.broadcast %shift_left3A_53 : i32 to vector<256x512xi32>
    %shift_left3A_55 = arith.shli %convert_element_type3A_52, %shift_left3A_54 : vector<256x512xi32>
    %or3A = arith.ori %convert_element_type3A_48, %shift_left3A_55 : vector<256x512xi32>
    %slice3A_56 = vector.extract_strided_slice %or3A {offsets = [0, 0], sizes = [256, 128], strides = [1, 1]} : vector<256x512xi32> to vector<256x128xi32>
    %broadcast_in_dim3A = vector.shape_cast %slice3A_56 : vector<256x128xi32> to vector<256x1x128xi32>
    %slice3A_57 = vector.extract_strided_slice %or3A {offsets = [0, 128], sizes = [256, 128], strides = [1, 1]} : vector<256x512xi32> to vector<256x128xi32>
    %broadcast_in_dim3A_58 = vector.shape_cast %slice3A_57 : vector<256x128xi32> to vector<256x1x128xi32>
    %slice3A_59 = vector.extract_strided_slice %or3A {offsets = [0, 256], sizes = [256, 128], strides = [1, 1]} : vector<256x512xi32> to vector<256x128xi32>
    %broadcast_in_dim3A_60 = vector.shape_cast %slice3A_59 : vector<256x128xi32> to vector<256x1x128xi32>
    %slice3A_61 = vector.extract_strided_slice %or3A {offsets = [0, 384], sizes = [256, 128], strides = [1, 1]} : vector<256x512xi32> to vector<256x128xi32>
    %broadcast_in_dim3A_62 = vector.shape_cast %slice3A_61 : vector<256x128xi32> to vector<256x1x128xi32>
    %concatenate3A_63 = tpu.concatenate %broadcast_in_dim3A, %broadcast_in_dim3A_58, %broadcast_in_dim3A_60, %broadcast_in_dim3A_62 in 1 : vector<256x1x128xi32>, vector<256x1x128xi32>, vector<256x1x128xi32>, vector<256x1x128xi32> -> vector<256x4x128xi32>
    %swap3A = arith.constant 0 : index
    %swap3A_64 = arith.constant 0 : index
    %swap3A_65 = arith.constant 0 : index
    %swap3A_66 = vector.load %arg6[%swap3A, %swap3A_64, %swap3A_65] : memref<256x4x128xi32, #tpu.memory_space<vmem>>, vector<256x4x128xi32>
    tpu.vector_store %arg6[%swap3A, %swap3A_64, %swap3A_65], %concatenate3A_63 {strides = array<i32>} : memref<256x4x128xi32, #tpu.memory_space<vmem>>, vector<256x4x128xi32>,
    return
  }
  func.func @transform_0(%arg0: i32, %arg1: memref<24xi32, #tpu.memory_space<smem>>) -> (i32, i32, i32) {
    %c0_i32 = arith.constant 0 : i32
    %c0_i32_0 = arith.constant 0 : i32
    %c0_i32_1 = arith.constant 0 : i32
    return %arg0, %c0_i32, %c0_i32_0 : i32, i32, i32
  }
  func.func @transform_1(%arg0: i32, %arg1: memref<24xi32, #tpu.memory_space<smem>>) -> (i32, i32, i32) {
    %get3A = arith.index_cast %arg0 : i32 to index
    %get3A_0 = memref.load %arg1[%get3A] : memref<24xi32, #tpu.memory_space<smem>>
    %c0_i32 = arith.constant 0 : i32
    %c0_i32_1 = arith.constant 0 : i32
    %c0_i32_2 = arith.constant 0 : i32
    return %get3A_0, %c0_i32, %c0_i32_1 : i32, i32, i32
  }
  func.func @transform_2(%arg0: i32, %arg1: memref<24xi32, #tpu.memory_space<smem>>) -> (i32, i32, i32) {
    %get3A = arith.index_cast %arg0 : i32 to index
    %get3A_0 = memref.load %arg1[%get3A] : memref<24xi32, #tpu.memory_space<smem>>
    %c0_i32 = arith.constant 0 : i32
    %c0_i32_1 = arith.constant 0 : i32
    %c0_i32_2 = arith.constant 0 : i32
    return %get3A_0, %c0_i32, %c0_i32_1 : i32, i32, i32
  }
  func.func @transform_3(%arg0: i32, %arg1: memref<24xi32, #tpu.memory_space<smem>>) -> (i32, i32, i32) {
    %get3A = arith.index_cast %arg0 : i32 to index
    %get3A_0 = memref.load %arg1[%get3A] : memref<24xi32, #tpu.memory_space<smem>>
    %c0_i32 = arith.constant 0 : i32
    %c0_i32_1 = arith.constant 0 : i32
    %c0_i32_2 = arith.constant 0 : i32
    return %get3A_0, %c0_i32, %c0_i32_1 : i32, i32, i32
  }
  func.func @transform_4(%arg0: i32, %arg1: memref<24xi32, #tpu.memory_space<smem>>) -> (i32, i32, i32) {
    %c0_i32 = arith.constant 0 : i32
    %c0_i32_0 = arith.constant 0 : i32
    %c0_i32_1 = arith.constant 0 : i32
    return %arg0, %c0_i32, %c0_i32_0 : i32, i32, i32
  }
}

module attributes {stable_mosaic.version = 14 : i64} {
  func.func @_shared_kernel(%arg0: i32, %arg1: memref<1024x1024xf32, #tpu.memory_space<vmem>>, %arg2: memref<512x1024xf32, #tpu.memory_space<vmem>>, %arg3: memref<512x1024xf32, #tpu.memory_space<vmem>>, %arg4: memref<1024x512xf32, #tpu.memory_space<vmem>>, %arg5: memref<1x1024xf32, #tpu.memory_space<vmem>>, %arg6: memref<1024x1024xf32, #tpu.memory_space<vmem>>) attributes {dimension_semantics = [#tpu.dimension_semantics<arbitrary>], iteration_bounds = array<i64: 2>, scalar_prefetch = 0 : i64, scratch_operands = 0 : i64, tpu.core_type = #tpu.core_type<tc>, window_params = [{transform_indices = @transform_0, window_bounds = array<i64: 1024, 1024>}, {pipeline_mode = #tpu.pipeline_mode<synchronous>, transform_indices = @transform_1, window_bounds = array<i64: 512, 1024>}, {pipeline_mode = #tpu.pipeline_mode<synchronous>, transform_indices = @transform_2, window_bounds = array<i64: 512, 1024>}, {pipeline_mode = #tpu.pipeline_mode<synchronous>, transform_indices = @transform_3, window_bounds = array<i64: 1024, 512>}, {pipeline_mode = #tpu.pipeline_mode<synchronous>, transform_indices = @transform_4, window_bounds = array<i64: 1, 1024>}, {transform_indices = @transform_5, window_bounds = array<i64: 1024, 1024>}]} {
    %get3A = arith.constant 0 : index
    %get3A_0 = arith.constant 0 : index
    %get3A_1 = vector.load %arg1[%get3A, %get3A_0] : memref<1024x1024xf32, #tpu.memory_space<vmem>>, vector<1024x1024xf32>
    %convert_element_type3A = arith.truncf %get3A_1 : vector<1024x1024xf32> to vector<1024x1024xbf16>
    %get3A_2 = arith.constant 0 : index
    %get3A_3 = arith.constant 0 : index
    %get3A_4 = vector.load %arg2[%get3A_2, %get3A_3] : memref<512x1024xf32, #tpu.memory_space<vmem>>, vector<512x1024xf32>
    %convert_element_type3A_5 = arith.truncf %get3A_4 : vector<512x1024xf32> to vector<512x1024xbf16>
    %get3A_6 = arith.constant 0 : index
    %get3A_7 = arith.constant 0 : index
    %get3A_8 = vector.load %arg3[%get3A_6, %get3A_7] : memref<512x1024xf32, #tpu.memory_space<vmem>>, vector<512x1024xf32>
    %convert_element_type3A_9 = arith.truncf %get3A_8 : vector<512x1024xf32> to vector<512x1024xbf16>
    %get3A_10 = arith.constant 0 : index
    %get3A_11 = arith.constant 0 : index
    %get3A_12 = vector.load %arg4[%get3A_10, %get3A_11] : memref<1024x512xf32, #tpu.memory_space<vmem>>, vector<1024x512xf32>
    %convert_element_type3A_13 = arith.truncf %get3A_12 : vector<1024x512xf32> to vector<1024x512xbf16>
    %dot_general3A = arith.constant dense<0.000000e+00> : vector<1024x512xf32>
    %dot_general3A_14 = tpu.matmul %convert_element_type3A, %convert_element_type3A_5, %dot_general3A {dimension_numbers = #tpu.dot_dimension_numbers<[1], [1], [0], [0], [0, 0, 1, 0], [], []>, transpose_lhs_hint = false} : vector<1024x1024xbf16>, vector<512x1024xbf16>, vector<1024x512xf32> -> vector<1024x512xf32>
    %dot_general3A_15 = arith.constant dense<0.000000e+00> : vector<1024x512xf32>
    %dot_general3A_16 = tpu.matmul %convert_element_type3A, %convert_element_type3A_9, %dot_general3A_15 {dimension_numbers = #tpu.dot_dimension_numbers<[1], [1], [0], [0], [0, 0, 1, 0], [], []>, transpose_lhs_hint = false} : vector<1024x1024xbf16>, vector<512x1024xbf16>, vector<1024x512xf32> -> vector<1024x512xf32>
    %logistic3A = arith.negf %dot_general3A_14 : vector<1024x512xf32>
    %logistic3A_17 = math.exp %logistic3A : vector<1024x512xf32>
    %logistic3A_18 = arith.constant 1.000000e+00 : f32
    %logistic3A_19 = vector.broadcast %logistic3A_18 : f32 to vector<1024x512xf32>
    %logistic3A_20 = arith.addf %logistic3A_19, %logistic3A_17 : vector<1024x512xf32>
    %logistic3A_21 = arith.divf %logistic3A_19, %logistic3A_20 : vector<1024x512xf32>
    %mul3A = arith.mulf %dot_general3A_14, %logistic3A_21 : vector<1024x512xf32>
    %mul3A_22 = arith.mulf %mul3A, %dot_general3A_16 : vector<1024x512xf32>
    %convert_element_type3A_23 = arith.truncf %mul3A_22 : vector<1024x512xf32> to vector<1024x512xbf16>
    %dot_general3A_24 = arith.constant dense<0.000000e+00> : vector<1024x1024xf32>
    %dot_general3A_25 = tpu.matmul %convert_element_type3A_23, %convert_element_type3A_13, %dot_general3A_24 {dimension_numbers = #tpu.dot_dimension_numbers<[1], [1], [0], [0], [0, 0, 1, 0], [], []>, transpose_lhs_hint = false} : vector<1024x512xbf16>, vector<1024x512xbf16>, vector<1024x1024xf32> -> vector<1024x1024xf32>
    %get3A_26 = arith.constant 0 : index
    %get3A_27 = arith.constant 0 : index
    %get3A_28 = vector.load %arg5[%get3A_26, %get3A_27] : memref<1x1024xf32, #tpu.memory_space<vmem>>, vector<1x1024xf32>
    %dot_general3A_29 = arith.constant dense<0.000000e+00> : vector<1024x1xf32>
    %dot_general3A_30 = tpu.matmul %get3A_1, %get3A_28, %dot_general3A_29 {dimension_numbers = #tpu.dot_dimension_numbers<[1], [1], [0], [0], [0, 0, 1, 0], [], []>, transpose_lhs_hint = false} : vector<1024x1024xf32>, vector<1x1024xf32>, vector<1024x1xf32> -> vector<1024x1xf32>
    %logistic3A_31 = arith.negf %dot_general3A_30 : vector<1024x1xf32>
    %logistic3A_32 = math.exp %logistic3A_31 : vector<1024x1xf32>
    %logistic3A_33 = arith.constant 1.000000e+00 : f32
    %logistic3A_34 = vector.broadcast %logistic3A_33 : f32 to vector<1024x1xf32>
    %logistic3A_35 = arith.addf %logistic3A_34, %logistic3A_32 : vector<1024x1xf32>
    %logistic3A_36 = arith.divf %logistic3A_34, %logistic3A_35 : vector<1024x1xf32>
    %mul3A_37 = vector.broadcast %logistic3A_36 : vector<1024x1xf32> to vector<1024x1024xf32>
    %mul3A_38 = arith.mulf %mul3A_37, %dot_general3A_25 : vector<1024x1024xf32>
    %swap3A = arith.constant 0 : index
    %swap3A_39 = arith.constant 0 : index
    %swap3A_40 = vector.load %arg6[%swap3A, %swap3A_39] : memref<1024x1024xf32, #tpu.memory_space<vmem>>, vector<1024x1024xf32>
    tpu.vector_store %arg6[%swap3A, %swap3A_39], %mul3A_38 {strides = array<i32>} : memref<1024x1024xf32, #tpu.memory_space<vmem>>, vector<1024x1024xf32>,
    return
  }
  func.func @transform_0(%arg0: i32) -> (i32, i32) {
    %c0_i32 = arith.constant 0 : i32
    %c0_i32_0 = arith.constant 0 : i32
    return %arg0, %c0_i32 : i32, i32
  }
  func.func @transform_1(%arg0: i32) -> (i32, i32) {
    %c0_i32 = arith.constant 0 : i32
    %c0_i32_0 = arith.constant 0 : i32
    %c0_i32_1 = arith.constant 0 : i32
    return %c0_i32, %c0_i32_0 : i32, i32
  }
  func.func @transform_2(%arg0: i32) -> (i32, i32) {
    %c0_i32 = arith.constant 0 : i32
    %c0_i32_0 = arith.constant 0 : i32
    %c0_i32_1 = arith.constant 0 : i32
    return %c0_i32, %c0_i32_0 : i32, i32
  }
  func.func @transform_3(%arg0: i32) -> (i32, i32) {
    %c0_i32 = arith.constant 0 : i32
    %c0_i32_0 = arith.constant 0 : i32
    %c0_i32_1 = arith.constant 0 : i32
    return %c0_i32, %c0_i32_0 : i32, i32
  }
  func.func @transform_4(%arg0: i32) -> (i32, i32) {
    %c0_i32 = arith.constant 0 : i32
    %c0_i32_0 = arith.constant 0 : i32
    %c0_i32_1 = arith.constant 0 : i32
    return %c0_i32, %c0_i32_0 : i32, i32
  }
  func.func @transform_5(%arg0: i32) -> (i32, i32) {
    %c0_i32 = arith.constant 0 : i32
    %c0_i32_0 = arith.constant 0 : i32
    return %arg0, %c0_i32 : i32, i32
  }
}

module attributes {stable_mosaic.version = 14 : i64} {
  func.func @_router_kernel(%arg0: i32, %arg1: memref<2048x1024xf32, #tpu.memory_space<vmem>>, %arg2: memref<8x1024xf32, #tpu.memory_space<vmem>>, %arg3: memref<2048x8xf32, #tpu.memory_space<vmem>>, %arg4: memref<32x128xi32, #tpu.memory_space<vmem>>, %arg5: memref<2x2048xf32, #tpu.memory_space<vmem>>, %arg6: memref<24x1xi32, #tpu.memory_space<vmem>>, %arg7: memref<2048x4x128xi32, #tpu.memory_space<vmem>>) attributes {dimension_semantics = [#tpu.dimension_semantics<arbitrary>], iteration_bounds = array<i64: 1>, scalar_prefetch = 0 : i64, scratch_operands = 0 : i64, tpu.core_type = #tpu.core_type<tc>, window_params = [{pipeline_mode = #tpu.pipeline_mode<synchronous>, transform_indices = @transform_0, window_bounds = array<i64: 2048, 1024>}, {pipeline_mode = #tpu.pipeline_mode<synchronous>, transform_indices = @transform_1, window_bounds = array<i64: 8, 1024>}, {pipeline_mode = #tpu.pipeline_mode<synchronous>, transform_indices = @transform_2, window_bounds = array<i64: 2048, 8>}, {pipeline_mode = #tpu.pipeline_mode<synchronous>, transform_indices = @transform_3, window_bounds = array<i64: 32, 128>}, {pipeline_mode = #tpu.pipeline_mode<synchronous>, transform_indices = @transform_4, window_bounds = array<i64: 2, 2048>}, {pipeline_mode = #tpu.pipeline_mode<synchronous>, transform_indices = @transform_5, window_bounds = array<i64: 24, 1>}, {pipeline_mode = #tpu.pipeline_mode<synchronous>, transform_indices = @transform_6, window_bounds = array<i64: 2048, 4, 128>}]} {
    %get3A = arith.constant 0 : index
    %get3A_0 = arith.constant 0 : index
    %get3A_1 = vector.load %arg1[%get3A, %get3A_0] : memref<2048x1024xf32, #tpu.memory_space<vmem>>, vector<2048x1024xf32>
    %get3A_2 = arith.constant 0 : index
    %get3A_3 = arith.constant 0 : index
    %get3A_4 = vector.load %arg2[%get3A_2, %get3A_3] : memref<8x1024xf32, #tpu.memory_space<vmem>>, vector<8x1024xf32>
    %dot_general3A = arith.constant dense<0.000000e+00> : vector<2048x8xf32>
    %dot_general3A_5 = tpu.matmul %get3A_1, %get3A_4, %dot_general3A {dimension_numbers = #tpu.dot_dimension_numbers<[1], [1], [0], [0], [0, 0, 1, 0], [], []>, transpose_lhs_hint = false} : vector<2048x1024xf32>, vector<8x1024xf32>, vector<2048x8xf32> -> vector<2048x8xf32>
    %swap3A = arith.constant 0 : index
    %swap3A_6 = arith.constant 0 : index
    %swap3A_7 = vector.load %arg3[%swap3A, %swap3A_6] : memref<2048x8xf32, #tpu.memory_space<vmem>>, vector<2048x8xf32>
    tpu.vector_store %arg3[%swap3A, %swap3A_6], %dot_general3A_5 {strides = array<i32>} : memref<2048x8xf32, #tpu.memory_space<vmem>>, vector<2048x8xf32>,
    %slice3A = vector.extract_strided_slice %get3A_1 {offsets = [0, 0], sizes = [2048, 512], strides = [1, 1]} : vector<2048x1024xf32> to vector<2048x512xf32>
    %convert_element_type3A = arith.truncf %slice3A : vector<2048x512xf32> to vector<2048x512xbf16>
    %bitcast_convert_type3A = tpu.bitcast %convert_element_type3A : vector<2048x512xbf16> -> vector<2048x512xi16>
    %convert_element_type3A_8 = arith.extui %bitcast_convert_type3A : vector<2048x512xi16> to vector<2048x512xi32>
    %slice3A_9 = vector.extract_strided_slice %get3A_1 {offsets = [0, 512], sizes = [2048, 512], strides = [1, 1]} : vector<2048x1024xf32> to vector<2048x512xf32>
    %convert_element_type3A_10 = arith.truncf %slice3A_9 : vector<2048x512xf32> to vector<2048x512xbf16>
    %bitcast_convert_type3A_11 = tpu.bitcast %convert_element_type3A_10 : vector<2048x512xbf16> -> vector<2048x512xi16>
    %convert_element_type3A_12 = arith.extui %bitcast_convert_type3A_11 : vector<2048x512xi16> to vector<2048x512xi32>
    %shift_left3A = arith.constant 16 : i32
    %shift_left3A_13 = vector.broadcast %shift_left3A : i32 to vector<2048x512xi32>
    %shift_left3A_14 = arith.shli %convert_element_type3A_12, %shift_left3A_13 : vector<2048x512xi32>
    %or3A = arith.ori %convert_element_type3A_8, %shift_left3A_14 : vector<2048x512xi32>
    %slice3A_15 = vector.extract_strided_slice %or3A {offsets = [0, 0], sizes = [2048, 128], strides = [1, 1]} : vector<2048x512xi32> to vector<2048x128xi32>
    %broadcast_in_dim3A = vector.shape_cast %slice3A_15 : vector<2048x128xi32> to vector<2048x1x128xi32>
    %slice3A_16 = vector.extract_strided_slice %or3A {offsets = [0, 128], sizes = [2048, 128], strides = [1, 1]} : vector<2048x512xi32> to vector<2048x128xi32>
    %broadcast_in_dim3A_17 = vector.shape_cast %slice3A_16 : vector<2048x128xi32> to vector<2048x1x128xi32>
    %slice3A_18 = vector.extract_strided_slice %or3A {offsets = [0, 256], sizes = [2048, 128], strides = [1, 1]} : vector<2048x512xi32> to vector<2048x128xi32>
    %broadcast_in_dim3A_19 = vector.shape_cast %slice3A_18 : vector<2048x128xi32> to vector<2048x1x128xi32>
    %slice3A_20 = vector.extract_strided_slice %or3A {offsets = [0, 384], sizes = [2048, 128], strides = [1, 1]} : vector<2048x512xi32> to vector<2048x128xi32>
    %broadcast_in_dim3A_21 = vector.shape_cast %slice3A_20 : vector<2048x128xi32> to vector<2048x1x128xi32>
    %concatenate3A = tpu.concatenate %broadcast_in_dim3A, %broadcast_in_dim3A_17, %broadcast_in_dim3A_19, %broadcast_in_dim3A_21 in 1 : vector<2048x1x128xi32>, vector<2048x1x128xi32>, vector<2048x1x128xi32>, vector<2048x1x128xi32> -> vector<2048x4x128xi32>
    %swap3A_22 = arith.constant 0 : index
    %swap3A_23 = arith.constant 0 : index
    %swap3A_24 = arith.constant 0 : index
    %swap3A_25 = vector.load %arg7[%swap3A_22, %swap3A_23, %swap3A_24] : memref<2048x4x128xi32, #tpu.memory_space<vmem>>, vector<2048x4x128xi32>
    tpu.vector_store %arg7[%swap3A_22, %swap3A_23, %swap3A_24], %concatenate3A {strides = array<i32>} : memref<2048x4x128xi32, #tpu.memory_space<vmem>>, vector<2048x4x128xi32>,
    %transpose3A = tpu.transpose %dot_general3A_5, [1, 0] : vector<2048x8xf32> -> vector<8x2048xf32>
    %reduce_max3A = arith.constant dense<0xFF800000> : vector<2048xf32>
    %reduce_max3A_26 = vector.multi_reduction <maximumf>, %transpose3A, %reduce_max3A [0] : vector<8x2048xf32> to vector<2048xf32>
    %broadcast_in_dim3A_27 = vector.shape_cast %reduce_max3A_26 : vector<2048xf32> to vector<1x2048xf32>
    %sub3A = vector.broadcast %broadcast_in_dim3A_27 : vector<1x2048xf32> to vector<8x2048xf32>
    %sub3A_28 = arith.subf %transpose3A, %sub3A : vector<8x2048xf32>
    %exp3A = math.exp %sub3A_28 : vector<8x2048xf32>
    %reduce_sum3A = arith.constant dense<0.000000e+00> : vector<2048xf32>
    %reduce_sum3A_29 = vector.multi_reduction <add>, %exp3A, %reduce_sum3A [0] : vector<8x2048xf32> to vector<2048xf32>
    %broadcast_in_dim3A_30 = vector.shape_cast %reduce_sum3A_29 : vector<2048xf32> to vector<1x2048xf32>
    %div3A = vector.broadcast %broadcast_in_dim3A_30 : vector<1x2048xf32> to vector<8x2048xf32>
    %div3A_31 = arith.divf %exp3A, %div3A : vector<8x2048xf32>
    %iota3A = tpu.iota {dimensions = array<i32: 0>} : vector<8x2048xi32>
    %reduce_max3A_32 = arith.constant dense<0xFF800000> : vector<2048xf32>
    %reduce_max3A_33 = vector.multi_reduction <maximumf>, %div3A_31, %reduce_max3A_32 [0] : vector<8x2048xf32> to vector<2048xf32>
    %broadcast_in_dim3A_34 = vector.shape_cast %reduce_max3A_33 : vector<2048xf32> to vector<1x2048xf32>
    %eq3A = vector.broadcast %broadcast_in_dim3A_34 : vector<1x2048xf32> to vector<8x2048xf32>
    %eq3A_35 = arith.cmpf oeq, %div3A_31, %eq3A : vector<8x2048xf32>
    %jit3A = arith.constant 8 : i32
    %broadcast_in_dim3A_36 = vector.broadcast %jit3A : i32 to vector<8x2048xi32>
    %select_n3A = arith.select %eq3A_35, %iota3A, %broadcast_in_dim3A_36 : vector<8x2048xi1>, vector<8x2048xi32>
    %reduce_min3A = arith.constant dense<2147483647> : vector<2048xi32>
    %reduce_min3A_37 = vector.multi_reduction <minsi>, %select_n3A, %reduce_min3A [0] : vector<8x2048xi32> to vector<2048xi32>
    %broadcast_in_dim3A_38 = vector.shape_cast %reduce_min3A_37 : vector<2048xi32> to vector<1x2048xi32>
    %eq3A_39 = vector.broadcast %broadcast_in_dim3A_38 : vector<1x2048xi32> to vector<8x2048xi32>
    %eq3A_40 = arith.cmpi eq, %iota3A, %eq3A_39 : vector<8x2048xi32>
    %jit3A_41 = arith.constant 0xFF800000 : f32
    %broadcast_in_dim3A_42 = vector.broadcast %jit3A_41 : f32 to vector<8x2048xf32>
    %select_n3A_43 = arith.select %eq3A_40, %broadcast_in_dim3A_42, %div3A_31 : vector<8x2048xi1>, vector<8x2048xf32>
    %reduce_max3A_44 = arith.constant dense<0xFF800000> : vector<2048xf32>
    %reduce_max3A_45 = vector.multi_reduction <maximumf>, %select_n3A_43, %reduce_max3A_44 [0] : vector<8x2048xf32> to vector<2048xf32>
    %broadcast_in_dim3A_46 = vector.shape_cast %reduce_max3A_45 : vector<2048xf32> to vector<1x2048xf32>
    %eq3A_47 = vector.broadcast %broadcast_in_dim3A_46 : vector<1x2048xf32> to vector<8x2048xf32>
    %eq3A_48 = arith.cmpf oeq, %select_n3A_43, %eq3A_47 : vector<8x2048xf32>
    %jit3A_49 = arith.constant 8 : i32
    %broadcast_in_dim3A_50 = vector.broadcast %jit3A_49 : i32 to vector<8x2048xi32>
    %select_n3A_51 = arith.select %eq3A_48, %iota3A, %broadcast_in_dim3A_50 : vector<8x2048xi1>, vector<8x2048xi32>
    %reduce_min3A_52 = arith.constant dense<2147483647> : vector<2048xi32>
    %reduce_min3A_53 = vector.multi_reduction <minsi>, %select_n3A_51, %reduce_min3A_52 [0] : vector<8x2048xi32> to vector<2048xi32>
    %broadcast_in_dim3A_54 = vector.shape_cast %reduce_min3A_53 : vector<2048xi32> to vector<1x2048xi32>
    %concatenate3A_55 = tpu.concatenate %broadcast_in_dim3A_34, %broadcast_in_dim3A_46 in 0 : vector<1x2048xf32>, vector<1x2048xf32> -> vector<2x2048xf32>
    %swap3A_56 = arith.constant 0 : index
    %swap3A_57 = arith.constant 0 : index
    %swap3A_58 = vector.load %arg5[%swap3A_56, %swap3A_57] : memref<2x2048xf32, #tpu.memory_space<vmem>>, vector<2x2048xf32>
    tpu.vector_store %arg5[%swap3A_56, %swap3A_57], %concatenate3A_55 {strides = array<i32>} : memref<2x2048xf32, #tpu.memory_space<vmem>>, vector<2x2048xf32>,
    %eq3A_59 = vector.broadcast %broadcast_in_dim3A_38 : vector<1x2048xi32> to vector<8x2048xi32>
    %eq3A_60 = arith.cmpi eq, %iota3A, %eq3A_59 : vector<8x2048xi32>
    %jit3A_61 = arith.constant 1.000000e+00 : f32
    %jit3A_62 = arith.constant 0.000000e+00 : f32
    %broadcast_in_dim3A_63 = vector.broadcast %jit3A_61 : f32 to vector<8x2048xf32>
    %broadcast_in_dim3A_64 = vector.broadcast %jit3A_62 : f32 to vector<8x2048xf32>
    %select_n3A_65 = arith.select %eq3A_60, %broadcast_in_dim3A_63, %broadcast_in_dim3A_64 : vector<8x2048xi1>, vector<8x2048xf32>
    %eq3A_66 = vector.broadcast %broadcast_in_dim3A_54 : vector<1x2048xi32> to vector<8x2048xi32>
    %eq3A_67 = arith.cmpi eq, %iota3A, %eq3A_66 : vector<8x2048xi32>
    %jit3A_68 = arith.constant 1.000000e+00 : f32
    %jit3A_69 = arith.constant 0.000000e+00 : f32
    %broadcast_in_dim3A_70 = vector.broadcast %jit3A_68 : f32 to vector<8x2048xf32>
    %broadcast_in_dim3A_71 = vector.broadcast %jit3A_69 : f32 to vector<8x2048xf32>
    %select_n3A_72 = arith.select %eq3A_67, %broadcast_in_dim3A_70, %broadcast_in_dim3A_71 : vector<8x2048xi1>, vector<8x2048xf32>
    %add3A = arith.addf %select_n3A_65, %select_n3A_72 : vector<8x2048xf32>
    %broadcast_in_dim3A_73 = arith.constant 0.000000e+00 : f32
    %broadcast_in_dim3A_74 = vector.broadcast %broadcast_in_dim3A_73 : f32 to vector<8x1xf32>
    %slice3A_75 = vector.extract_strided_slice %add3A {offsets = [0, 0], sizes = [8, 2047], strides = [1, 1]} : vector<8x2048xf32> to vector<8x2047xf32>
    %concatenate3A_76 = tpu.concatenate %broadcast_in_dim3A_74, %slice3A_75 in 1 : vector<8x1xf32>, vector<8x2047xf32> -> vector<8x2048xf32>
    %add3A_77 = arith.addf %add3A, %concatenate3A_76 : vector<8x2048xf32>
    %broadcast_in_dim3A_78 = arith.constant 0.000000e+00 : f32
    %broadcast_in_dim3A_79 = vector.broadcast %broadcast_in_dim3A_78 : f32 to vector<8x2xf32>
    %slice3A_80 = vector.extract_strided_slice %add3A_77 {offsets = [0, 0], sizes = [8, 2046], strides = [1, 1]} : vector<8x2048xf32> to vector<8x2046xf32>
    %concatenate3A_81 = tpu.concatenate %broadcast_in_dim3A_79, %slice3A_80 in 1 : vector<8x2xf32>, vector<8x2046xf32> -> vector<8x2048xf32>
    %add3A_82 = arith.addf %add3A_77, %concatenate3A_81 : vector<8x2048xf32>
    %broadcast_in_dim3A_83 = arith.constant 0.000000e+00 : f32
    %broadcast_in_dim3A_84 = vector.broadcast %broadcast_in_dim3A_83 : f32 to vector<8x4xf32>
    %slice3A_85 = vector.extract_strided_slice %add3A_82 {offsets = [0, 0], sizes = [8, 2044], strides = [1, 1]} : vector<8x2048xf32> to vector<8x2044xf32>
    %concatenate3A_86 = tpu.concatenate %broadcast_in_dim3A_84, %slice3A_85 in 1 : vector<8x4xf32>, vector<8x2044xf32> -> vector<8x2048xf32>
    %add3A_87 = arith.addf %add3A_82, %concatenate3A_86 : vector<8x2048xf32>
    %broadcast_in_dim3A_88 = arith.constant 0.000000e+00 : f32
    %broadcast_in_dim3A_89 = vector.broadcast %broadcast_in_dim3A_88 : f32 to vector<8x8xf32>
    %slice3A_90 = vector.extract_strided_slice %add3A_87 {offsets = [0, 0], sizes = [8, 2040], strides = [1, 1]} : vector<8x2048xf32> to vector<8x2040xf32>
    %concatenate3A_91 = tpu.concatenate %broadcast_in_dim3A_89, %slice3A_90 in 1 : vector<8x8xf32>, vector<8x2040xf32> -> vector<8x2048xf32>
    %add3A_92 = arith.addf %add3A_87, %concatenate3A_91 : vector<8x2048xf32>
    %broadcast_in_dim3A_93 = arith.constant 0.000000e+00 : f32
    %broadcast_in_dim3A_94 = vector.broadcast %broadcast_in_dim3A_93 : f32 to vector<8x16xf32>
    %slice3A_95 = vector.extract_strided_slice %add3A_92 {offsets = [0, 0], sizes = [8, 2032], strides = [1, 1]} : vector<8x2048xf32> to vector<8x2032xf32>
    %concatenate3A_96 = tpu.concatenate %broadcast_in_dim3A_94, %slice3A_95 in 1 : vector<8x16xf32>, vector<8x2032xf32> -> vector<8x2048xf32>
    %add3A_97 = arith.addf %add3A_92, %concatenate3A_96 : vector<8x2048xf32>
    %broadcast_in_dim3A_98 = arith.constant 0.000000e+00 : f32
    %broadcast_in_dim3A_99 = vector.broadcast %broadcast_in_dim3A_98 : f32 to vector<8x32xf32>
    %slice3A_100 = vector.extract_strided_slice %add3A_97 {offsets = [0, 0], sizes = [8, 2016], strides = [1, 1]} : vector<8x2048xf32> to vector<8x2016xf32>
    %concatenate3A_101 = tpu.concatenate %broadcast_in_dim3A_99, %slice3A_100 in 1 : vector<8x32xf32>, vector<8x2016xf32> -> vector<8x2048xf32>
    %add3A_102 = arith.addf %add3A_97, %concatenate3A_101 : vector<8x2048xf32>
    %broadcast_in_dim3A_103 = arith.constant 0.000000e+00 : f32
    %broadcast_in_dim3A_104 = vector.broadcast %broadcast_in_dim3A_103 : f32 to vector<8x64xf32>
    %slice3A_105 = vector.extract_strided_slice %add3A_102 {offsets = [0, 0], sizes = [8, 1984], strides = [1, 1]} : vector<8x2048xf32> to vector<8x1984xf32>
    %concatenate3A_106 = tpu.concatenate %broadcast_in_dim3A_104, %slice3A_105 in 1 : vector<8x64xf32>, vector<8x1984xf32> -> vector<8x2048xf32>
    %add3A_107 = arith.addf %add3A_102, %concatenate3A_106 : vector<8x2048xf32>
    %broadcast_in_dim3A_108 = arith.constant 0.000000e+00 : f32
    %broadcast_in_dim3A_109 = vector.broadcast %broadcast_in_dim3A_108 : f32 to vector<8x128xf32>
    %slice3A_110 = vector.extract_strided_slice %add3A_107 {offsets = [0, 0], sizes = [8, 1920], strides = [1, 1]} : vector<8x2048xf32> to vector<8x1920xf32>
    %concatenate3A_111 = tpu.concatenate %broadcast_in_dim3A_109, %slice3A_110 in 1 : vector<8x128xf32>, vector<8x1920xf32> -> vector<8x2048xf32>
    %add3A_112 = arith.addf %add3A_107, %concatenate3A_111 : vector<8x2048xf32>
    %broadcast_in_dim3A_113 = arith.constant 0.000000e+00 : f32
    %broadcast_in_dim3A_114 = vector.broadcast %broadcast_in_dim3A_113 : f32 to vector<8x256xf32>
    %slice3A_115 = vector.extract_strided_slice %add3A_112 {offsets = [0, 0], sizes = [8, 1792], strides = [1, 1]} : vector<8x2048xf32> to vector<8x1792xf32>
    %concatenate3A_116 = tpu.concatenate %broadcast_in_dim3A_114, %slice3A_115 in 1 : vector<8x256xf32>, vector<8x1792xf32> -> vector<8x2048xf32>
    %add3A_117 = arith.addf %add3A_112, %concatenate3A_116 : vector<8x2048xf32>
    %broadcast_in_dim3A_118 = arith.constant 0.000000e+00 : f32
    %broadcast_in_dim3A_119 = vector.broadcast %broadcast_in_dim3A_118 : f32 to vector<8x512xf32>
    %slice3A_120 = vector.extract_strided_slice %add3A_117 {offsets = [0, 0], sizes = [8, 1536], strides = [1, 1]} : vector<8x2048xf32> to vector<8x1536xf32>
    %concatenate3A_121 = tpu.concatenate %broadcast_in_dim3A_119, %slice3A_120 in 1 : vector<8x512xf32>, vector<8x1536xf32> -> vector<8x2048xf32>
    %add3A_122 = arith.addf %add3A_117, %concatenate3A_121 : vector<8x2048xf32>
    %broadcast_in_dim3A_123 = arith.constant 0.000000e+00 : f32
    %broadcast_in_dim3A_124 = vector.broadcast %broadcast_in_dim3A_123 : f32 to vector<8x1024xf32>
    %slice3A_125 = vector.extract_strided_slice %add3A_122 {offsets = [0, 0], sizes = [8, 1024], strides = [1, 1]} : vector<8x2048xf32> to vector<8x1024xf32>
    %concatenate3A_126 = tpu.concatenate %broadcast_in_dim3A_124, %slice3A_125 in 1 : vector<8x1024xf32>, vector<8x1024xf32> -> vector<8x2048xf32>
    %add3A_127 = arith.addf %add3A_122, %concatenate3A_126 : vector<8x2048xf32>
    %sub3A_128 = arith.subf %add3A_127, %add3A : vector<8x2048xf32>
    %slice3A_129 = vector.extract_strided_slice %add3A_127 {offsets = [0, 2047], sizes = [8, 1], strides = [1, 1]} : vector<8x2048xf32> to vector<8x1xf32>
    %add3A_130 = arith.constant 2.550000e+02 : f32
    %add3A_131 = vector.broadcast %add3A_130 : f32 to vector<8x1xf32>
    %add3A_132 = arith.addf %slice3A_129, %add3A_131 : vector<8x1xf32>
    %mul3A = arith.constant 3.906250e-03 : f32
    %mul3A_133 = vector.broadcast %mul3A : f32 to vector<8x1xf32>
    %mul3A_134 = arith.mulf %add3A_132, %mul3A_133 : vector<8x1xf32>
    %floor3A = math.floor %mul3A_134 : vector<8x1xf32>
    %mul3A_135 = arith.constant 2.560000e+02 : f32
    %mul3A_136 = vector.broadcast %mul3A_135 : f32 to vector<8x1xf32>
    %mul3A_137 = arith.mulf %floor3A, %mul3A_136 : vector<8x1xf32>
    %broadcast_in_dim3A_138 = arith.constant 0.000000e+00 : f32
    %broadcast_in_dim3A_139 = vector.broadcast %broadcast_in_dim3A_138 : f32 to vector<1x1xf32>
    %slice3A_140 = vector.extract_strided_slice %mul3A_137 {offsets = [0, 0], sizes = [7, 1], strides = [1, 1]} : vector<8x1xf32> to vector<7x1xf32>
    %concatenate3A_141 = tpu.concatenate %broadcast_in_dim3A_139, %slice3A_140 in 0 : vector<1x1xf32>, vector<7x1xf32> -> vector<8x1xf32>
    %add3A_142 = arith.addf %mul3A_137, %concatenate3A_141 : vector<8x1xf32>
    %broadcast_in_dim3A_143 = arith.constant 0.000000e+00 : f32
    %broadcast_in_dim3A_144 = vector.broadcast %broadcast_in_dim3A_143 : f32 to vector<2x1xf32>
    %slice3A_145 = vector.extract_strided_slice %add3A_142 {offsets = [0, 0], sizes = [6, 1], strides = [1, 1]} : vector<8x1xf32> to vector<6x1xf32>
    %concatenate3A_146 = tpu.concatenate %broadcast_in_dim3A_144, %slice3A_145 in 0 : vector<2x1xf32>, vector<6x1xf32> -> vector<8x1xf32>
    %add3A_147 = arith.addf %add3A_142, %concatenate3A_146 : vector<8x1xf32>
    %broadcast_in_dim3A_148 = arith.constant 0.000000e+00 : f32
    %broadcast_in_dim3A_149 = vector.broadcast %broadcast_in_dim3A_148 : f32 to vector<4x1xf32>
    %slice3A_150 = vector.extract_strided_slice %add3A_147 {offsets = [0, 0], sizes = [4, 1], strides = [1, 1]} : vector<8x1xf32> to vector<4x1xf32>
    %concatenate3A_151 = tpu.concatenate %broadcast_in_dim3A_149, %slice3A_150 in 0 : vector<4x1xf32>, vector<4x1xf32> -> vector<8x1xf32>
    %add3A_152 = arith.addf %add3A_147, %concatenate3A_151 : vector<8x1xf32>
    %sub3A_153 = arith.subf %add3A_152, %mul3A_137 : vector<8x1xf32>
    %add3A_154 = vector.broadcast %sub3A_153 : vector<8x1xf32> to vector<8x2048xf32>
    %add3A_155 = arith.addf %add3A_154, %sub3A_128 : vector<8x2048xf32>
    %eq3A_156 = vector.broadcast %broadcast_in_dim3A_38 : vector<1x2048xi32> to vector<8x2048xi32>
    %eq3A_157 = arith.cmpi eq, %iota3A, %eq3A_156 : vector<8x2048xi32>
    %jit3A_158 = arith.constant 0.000000e+00 : f32
    %broadcast_in_dim3A_159 = vector.broadcast %jit3A_158 : f32 to vector<8x2048xf32>
    %select_n3A_160 = arith.select %eq3A_157, %add3A_155, %broadcast_in_dim3A_159 : vector<8x2048xi1>, vector<8x2048xf32>
    %reduce_sum3A_161 = arith.constant dense<0.000000e+00> : vector<2048xf32>
    %reduce_sum3A_162 = vector.multi_reduction <add>, %select_n3A_160, %reduce_sum3A_161 [0] : vector<8x2048xf32> to vector<2048xf32>
    %broadcast_in_dim3A_163 = vector.shape_cast %reduce_sum3A_162 : vector<2048xf32> to vector<1x2048xf32>
    %convert_element_type3A_164 = arith.fptosi %broadcast_in_dim3A_163 : vector<1x2048xf32> to vector<1x2048xi32>
    %eq3A_165 = vector.broadcast %broadcast_in_dim3A_54 : vector<1x2048xi32> to vector<8x2048xi32>
    %eq3A_166 = arith.cmpi eq, %iota3A, %eq3A_165 : vector<8x2048xi32>
    %jit3A_167 = arith.constant 0.000000e+00 : f32
    %broadcast_in_dim3A_168 = vector.broadcast %jit3A_167 : f32 to vector<8x2048xf32>
    %select_n3A_169 = arith.select %eq3A_166, %add3A_155, %broadcast_in_dim3A_168 : vector<8x2048xi1>, vector<8x2048xf32>
    %reduce_sum3A_170 = arith.constant dense<0.000000e+00> : vector<2048xf32>
    %reduce_sum3A_171 = vector.multi_reduction <add>, %select_n3A_169, %reduce_sum3A_170 [0] : vector<8x2048xf32> to vector<2048xf32>
    %broadcast_in_dim3A_172 = vector.shape_cast %reduce_sum3A_171 : vector<2048xf32> to vector<1x2048xf32>
    %convert_element_type3A_173 = arith.fptosi %broadcast_in_dim3A_172 : vector<1x2048xf32> to vector<1x2048xi32>
    %slice3A_174 = vector.extract_strided_slice %convert_element_type3A_164 {offsets = [0, 0], sizes = [1, 128], strides = [1, 1]} : vector<1x2048xi32> to vector<1x128xi32>
    %slice3A_175 = vector.extract_strided_slice %convert_element_type3A_164 {offsets = [0, 128], sizes = [1, 128], strides = [1, 1]} : vector<1x2048xi32> to vector<1x128xi32>
    %slice3A_176 = vector.extract_strided_slice %convert_element_type3A_164 {offsets = [0, 256], sizes = [1, 128], strides = [1, 1]} : vector<1x2048xi32> to vector<1x128xi32>
    %slice3A_177 = vector.extract_strided_slice %convert_element_type3A_164 {offsets = [0, 384], sizes = [1, 128], strides = [1, 1]} : vector<1x2048xi32> to vector<1x128xi32>
    %slice3A_178 = vector.extract_strided_slice %convert_element_type3A_164 {offsets = [0, 512], sizes = [1, 128], strides = [1, 1]} : vector<1x2048xi32> to vector<1x128xi32>
    %slice3A_179 = vector.extract_strided_slice %convert_element_type3A_164 {offsets = [0, 640], sizes = [1, 128], strides = [1, 1]} : vector<1x2048xi32> to vector<1x128xi32>
    %slice3A_180 = vector.extract_strided_slice %convert_element_type3A_164 {offsets = [0, 768], sizes = [1, 128], strides = [1, 1]} : vector<1x2048xi32> to vector<1x128xi32>
    %slice3A_181 = vector.extract_strided_slice %convert_element_type3A_164 {offsets = [0, 896], sizes = [1, 128], strides = [1, 1]} : vector<1x2048xi32> to vector<1x128xi32>
    %slice3A_182 = vector.extract_strided_slice %convert_element_type3A_164 {offsets = [0, 1024], sizes = [1, 128], strides = [1, 1]} : vector<1x2048xi32> to vector<1x128xi32>
    %slice3A_183 = vector.extract_strided_slice %convert_element_type3A_164 {offsets = [0, 1152], sizes = [1, 128], strides = [1, 1]} : vector<1x2048xi32> to vector<1x128xi32>
    %slice3A_184 = vector.extract_strided_slice %convert_element_type3A_164 {offsets = [0, 1280], sizes = [1, 128], strides = [1, 1]} : vector<1x2048xi32> to vector<1x128xi32>
    %slice3A_185 = vector.extract_strided_slice %convert_element_type3A_164 {offsets = [0, 1408], sizes = [1, 128], strides = [1, 1]} : vector<1x2048xi32> to vector<1x128xi32>
    %slice3A_186 = vector.extract_strided_slice %convert_element_type3A_164 {offsets = [0, 1536], sizes = [1, 128], strides = [1, 1]} : vector<1x2048xi32> to vector<1x128xi32>
    %slice3A_187 = vector.extract_strided_slice %convert_element_type3A_164 {offsets = [0, 1664], sizes = [1, 128], strides = [1, 1]} : vector<1x2048xi32> to vector<1x128xi32>
    %slice3A_188 = vector.extract_strided_slice %convert_element_type3A_164 {offsets = [0, 1792], sizes = [1, 128], strides = [1, 1]} : vector<1x2048xi32> to vector<1x128xi32>
    %slice3A_189 = vector.extract_strided_slice %convert_element_type3A_164 {offsets = [0, 1920], sizes = [1, 128], strides = [1, 1]} : vector<1x2048xi32> to vector<1x128xi32>
    %slice3A_190 = vector.extract_strided_slice %convert_element_type3A_173 {offsets = [0, 0], sizes = [1, 128], strides = [1, 1]} : vector<1x2048xi32> to vector<1x128xi32>
    %slice3A_191 = vector.extract_strided_slice %convert_element_type3A_173 {offsets = [0, 128], sizes = [1, 128], strides = [1, 1]} : vector<1x2048xi32> to vector<1x128xi32>
    %slice3A_192 = vector.extract_strided_slice %convert_element_type3A_173 {offsets = [0, 256], sizes = [1, 128], strides = [1, 1]} : vector<1x2048xi32> to vector<1x128xi32>
    %slice3A_193 = vector.extract_strided_slice %convert_element_type3A_173 {offsets = [0, 384], sizes = [1, 128], strides = [1, 1]} : vector<1x2048xi32> to vector<1x128xi32>
    %slice3A_194 = vector.extract_strided_slice %convert_element_type3A_173 {offsets = [0, 512], sizes = [1, 128], strides = [1, 1]} : vector<1x2048xi32> to vector<1x128xi32>
    %slice3A_195 = vector.extract_strided_slice %convert_element_type3A_173 {offsets = [0, 640], sizes = [1, 128], strides = [1, 1]} : vector<1x2048xi32> to vector<1x128xi32>
    %slice3A_196 = vector.extract_strided_slice %convert_element_type3A_173 {offsets = [0, 768], sizes = [1, 128], strides = [1, 1]} : vector<1x2048xi32> to vector<1x128xi32>
    %slice3A_197 = vector.extract_strided_slice %convert_element_type3A_173 {offsets = [0, 896], sizes = [1, 128], strides = [1, 1]} : vector<1x2048xi32> to vector<1x128xi32>
    %slice3A_198 = vector.extract_strided_slice %convert_element_type3A_173 {offsets = [0, 1024], sizes = [1, 128], strides = [1, 1]} : vector<1x2048xi32> to vector<1x128xi32>
    %slice3A_199 = vector.extract_strided_slice %convert_element_type3A_173 {offsets = [0, 1152], sizes = [1, 128], strides = [1, 1]} : vector<1x2048xi32> to vector<1x128xi32>
    %slice3A_200 = vector.extract_strided_slice %convert_element_type3A_173 {offsets = [0, 1280], sizes = [1, 128], strides = [1, 1]} : vector<1x2048xi32> to vector<1x128xi32>
    %slice3A_201 = vector.extract_strided_slice %convert_element_type3A_173 {offsets = [0, 1408], sizes = [1, 128], strides = [1, 1]} : vector<1x2048xi32> to vector<1x128xi32>
    %slice3A_202 = vector.extract_strided_slice %convert_element_type3A_173 {offsets = [0, 1536], sizes = [1, 128], strides = [1, 1]} : vector<1x2048xi32> to vector<1x128xi32>
    %slice3A_203 = vector.extract_strided_slice %convert_element_type3A_173 {offsets = [0, 1664], sizes = [1, 128], strides = [1, 1]} : vector<1x2048xi32> to vector<1x128xi32>
    %slice3A_204 = vector.extract_strided_slice %convert_element_type3A_173 {offsets = [0, 1792], sizes = [1, 128], strides = [1, 1]} : vector<1x2048xi32> to vector<1x128xi32>
    %slice3A_205 = vector.extract_strided_slice %convert_element_type3A_173 {offsets = [0, 1920], sizes = [1, 128], strides = [1, 1]} : vector<1x2048xi32> to vector<1x128xi32>
    %concatenate3A_206 = tpu.concatenate %slice3A_174, %slice3A_175, %slice3A_176, %slice3A_177, %slice3A_178, %slice3A_179, %slice3A_180, %slice3A_181, %slice3A_182, %slice3A_183, %slice3A_184, %slice3A_185, %slice3A_186, %slice3A_187, %slice3A_188, %slice3A_189, %slice3A_190, %slice3A_191, %slice3A_192, %slice3A_193, %slice3A_194, %slice3A_195, %slice3A_196, %slice3A_197, %slice3A_198, %slice3A_199, %slice3A_200, %slice3A_201, %slice3A_202, %slice3A_203, %slice3A_204, %slice3A_205 in 0 : vector<1x128xi32>, vector<1x128xi32>, vector<1x128xi32>, vector<1x128xi32>, vector<1x128xi32>, vector<1x128xi32>, vector<1x128xi32>, vector<1x128xi32>, vector<1x128xi32>, vector<1x128xi32>, vector<1x128xi32>, vector<1x128xi32>, vector<1x128xi32>, vector<1x128xi32>, vector<1x128xi32>, vector<1x128xi32>, vector<1x128xi32>, vector<1x128xi32>, vector<1x128xi32>, vector<1x128xi32>, vector<1x128xi32>, vector<1x128xi32>, vector<1x128xi32>, vector<1x128xi32>, vector<1x128xi32>, vector<1x128xi32>, vector<1x128xi32>, vector<1x128xi32>, vector<1x128xi32>, vector<1x128xi32>, vector<1x128xi32>, vector<1x128xi32> -> vector<32x128xi32>
    %swap3A_207 = arith.constant 0 : index
    %swap3A_208 = arith.constant 0 : index
    %swap3A_209 = vector.load %arg4[%swap3A_207, %swap3A_208] : memref<32x128xi32, #tpu.memory_space<vmem>>, vector<32x128xi32>
    tpu.vector_store %arg4[%swap3A_207, %swap3A_208], %concatenate3A_206 {strides = array<i32>} : memref<32x128xi32, #tpu.memory_space<vmem>>, vector<32x128xi32>,
    %iota3A_210 = tpu.iota {dimensions = array<i32: 0>} : vector<24x8xi32>
    %convert_element_type3A_211 = arith.sitofp %iota3A_210 : vector<24x8xi32> to vector<24x8xf32>
    %mul3A_212 = arith.constant 2.560000e+02 : f32
    %mul3A_213 = vector.broadcast %mul3A_212 : f32 to vector<24x8xf32>
    %mul3A_214 = arith.mulf %convert_element_type3A_211, %mul3A_213 : vector<24x8xf32>
    %transpose3A_215 = tpu.transpose %add3A_152, [1, 0] : vector<8x1xf32> -> vector<1x8xf32>
    %ge3A = vector.broadcast %transpose3A_215 : vector<1x8xf32> to vector<24x8xf32>
    %ge3A_216 = arith.cmpf oge, %mul3A_214, %ge3A : vector<24x8xf32>
    %jit3A_217 = arith.constant 1.000000e+00 : f32
    %jit3A_218 = arith.constant 0.000000e+00 : f32
    %broadcast_in_dim3A_219 = vector.broadcast %jit3A_217 : f32 to vector<24x8xf32>
    %broadcast_in_dim3A_220 = vector.broadcast %jit3A_218 : f32 to vector<24x8xf32>
    %select_n3A_221 = arith.select %ge3A_216, %broadcast_in_dim3A_219, %broadcast_in_dim3A_220 : vector<24x8xi1>, vector<24x8xf32>
    %reduce_sum3A_222 = arith.constant dense<0.000000e+00> : vector<24xf32>
    %reduce_sum3A_223 = vector.multi_reduction <add>, %select_n3A_221, %reduce_sum3A_222 [1] : vector<24x8xf32> to vector<24xf32>
    %broadcast_in_dim3A_224 = vector.shape_cast %reduce_sum3A_223 : vector<24xf32> to vector<24x1xf32>
    %min3A = arith.constant 7.000000e+00 : f32
    %min3A_225 = vector.broadcast %min3A : f32 to vector<24x1xf32>
    %min3A_226 = arith.minimumf %broadcast_in_dim3A_224, %min3A_225 : vector<24x1xf32>
    %convert_element_type3A_227 = arith.fptosi %min3A_226 : vector<24x1xf32> to vector<24x1xi32>
    %swap3A_228 = arith.constant 0 : index
    %swap3A_229 = arith.constant 0 : index
    %swap3A_230 = vector.load %arg6[%swap3A_228, %swap3A_229] : memref<24x1xi32, #tpu.memory_space<vmem>>, vector<24x1xi32>
    tpu.vector_store %arg6[%swap3A_228, %swap3A_229], %convert_element_type3A_227 {strides = array<i32>} : memref<24x1xi32, #tpu.memory_space<vmem>>, vector<24x1xi32>,
    return
  }
  func.func @transform_0(%arg0: i32) -> (i32, i32) {
    %c0_i32 = arith.constant 0 : i32
    %c0_i32_0 = arith.constant 0 : i32
    %c0_i32_1 = arith.constant 0 : i32
    return %c0_i32, %c0_i32_0 : i32, i32
  }
  func.func @transform_1(%arg0: i32) -> (i32, i32) {
    %c0_i32 = arith.constant 0 : i32
    %c0_i32_0 = arith.constant 0 : i32
    %c0_i32_1 = arith.constant 0 : i32
    return %c0_i32, %c0_i32_0 : i32, i32
  }
  func.func @transform_2(%arg0: i32) -> (i32, i32) {
    %c0_i32 = arith.constant 0 : i32
    %c0_i32_0 = arith.constant 0 : i32
    %c0_i32_1 = arith.constant 0 : i32
    return %c0_i32, %c0_i32_0 : i32, i32
  }
  func.func @transform_3(%arg0: i32) -> (i32, i32) {
    %c0_i32 = arith.constant 0 : i32
    %c0_i32_0 = arith.constant 0 : i32
    %c0_i32_1 = arith.constant 0 : i32
    return %c0_i32, %c0_i32_0 : i32, i32
  }
  func.func @transform_4(%arg0: i32) -> (i32, i32) {
    %c0_i32 = arith.constant 0 : i32
    %c0_i32_0 = arith.constant 0 : i32
    %c0_i32_1 = arith.constant 0 : i32
    return %c0_i32, %c0_i32_0 : i32, i32
  }
  func.func @transform_5(%arg0: i32) -> (i32, i32) {
    %c0_i32 = arith.constant 0 : i32
    %c0_i32_0 = arith.constant 0 : i32
    %c0_i32_1 = arith.constant 0 : i32
    return %c0_i32, %c0_i32_0 : i32, i32
  }
  func.func @transform_6(%arg0: i32) -> (i32, i32, i32) {
    %c0_i32 = arith.constant 0 : i32
    %c0_i32_0 = arith.constant 0 : i32
    %c0_i32_1 = arith.constant 0 : i32
    %c0_i32_2 = arith.constant 0 : i32
    return %c0_i32, %c0_i32_0, %c0_i32_1 : i32, i32, i32
  }
}

module attributes {stable_mosaic.version = 14 : i64} {
  func.func @_final_kernel(%arg0: i32, %arg1: memref<512x4x128xi32, #tpu.memory_space<vmem>>, %arg2: memref<512x4x128xi32, #tpu.memory_space<vmem>>, %arg3: memref<2x512xf32, #tpu.memory_space<vmem>>, %arg4: memref<512x1024xf32, #tpu.memory_space<vmem>>, %arg5: memref<512x1024xf32, #tpu.memory_space<vmem>>) attributes {dimension_semantics = [#tpu.dimension_semantics<arbitrary>], iteration_bounds = array<i64: 4>, scalar_prefetch = 0 : i64, scratch_operands = 0 : i64, tpu.core_type = #tpu.core_type<tc>, window_params = [{transform_indices = @transform_0, window_bounds = array<i64: 512, 4, 128>}, {transform_indices = @transform_1, window_bounds = array<i64: 512, 4, 128>}, {transform_indices = @transform_2, window_bounds = array<i64: 2, 512>}, {transform_indices = @transform_3, window_bounds = array<i64: 512, 1024>}, {transform_indices = @transform_4, window_bounds = array<i64: 512, 1024>}]} {
    %get3A = arith.constant 0 : index
    %get3A_0 = arith.constant 0 : index
    %get3A_1 = arith.constant 0 : index
    %get3A_2 = vector.load %arg1[%get3A, %get3A_0, %get3A_1] : memref<512x4x128xi32, #tpu.memory_space<vmem>>, vector<512x4x128xi32>
    %slice3A = vector.extract_strided_slice %get3A_2 {offsets = [0, 0, 0], sizes = [512, 1, 128], strides = [1, 1, 1]} : vector<512x4x128xi32> to vector<512x1x128xi32>
    %squeeze3A = vector.shape_cast %slice3A : vector<512x1x128xi32> to vector<512x128xi32>
    %slice3A_3 = vector.extract_strided_slice %get3A_2 {offsets = [0, 1, 0], sizes = [512, 1, 128], strides = [1, 1, 1]} : vector<512x4x128xi32> to vector<512x1x128xi32>
    %squeeze3A_4 = vector.shape_cast %slice3A_3 : vector<512x1x128xi32> to vector<512x128xi32>
    %slice3A_5 = vector.extract_strided_slice %get3A_2 {offsets = [0, 2, 0], sizes = [512, 1, 128], strides = [1, 1, 1]} : vector<512x4x128xi32> to vector<512x1x128xi32>
    %squeeze3A_6 = vector.shape_cast %slice3A_5 : vector<512x1x128xi32> to vector<512x128xi32>
    %slice3A_7 = vector.extract_strided_slice %get3A_2 {offsets = [0, 3, 0], sizes = [512, 1, 128], strides = [1, 1, 1]} : vector<512x4x128xi32> to vector<512x1x128xi32>
    %squeeze3A_8 = vector.shape_cast %slice3A_7 : vector<512x1x128xi32> to vector<512x128xi32>
    %concatenate3A = tpu.concatenate %squeeze3A, %squeeze3A_4, %squeeze3A_6, %squeeze3A_8 in 1 : vector<512x128xi32>, vector<512x128xi32>, vector<512x128xi32>, vector<512x128xi32> -> vector<512x512xi32>
    %shift_left3A = arith.constant 16 : i32
    %shift_left3A_9 = vector.broadcast %shift_left3A : i32 to vector<512x512xi32>
    %shift_left3A_10 = arith.shli %concatenate3A, %shift_left3A_9 : vector<512x512xi32>
    %bitcast_convert_type3A = tpu.bitcast %shift_left3A_10 : vector<512x512xi32> -> vector<512x512xf32>
    %and3A = arith.constant -65536 : i32
    %and3A_11 = vector.broadcast %and3A : i32 to vector<512x512xi32>
    %and3A_12 = arith.andi %concatenate3A, %and3A_11 : vector<512x512xi32>
    %bitcast_convert_type3A_13 = tpu.bitcast %and3A_12 : vector<512x512xi32> -> vector<512x512xf32>
    %concatenate3A_14 = tpu.concatenate %bitcast_convert_type3A, %bitcast_convert_type3A_13 in 1 : vector<512x512xf32>, vector<512x512xf32> -> vector<512x1024xf32>
    %convert_element_type3A = arith.truncf %concatenate3A_14 : vector<512x1024xf32> to vector<512x1024xbf16>
    %convert_element_type3A_15 = arith.extf %convert_element_type3A : vector<512x1024xbf16> to vector<512x1024xf32>
    %get3A_16 = arith.constant 0 : index
    %get3A_17 = arith.constant 0 : index
    %get3A_18 = arith.constant 0 : index
    %get3A_19 = vector.load %arg2[%get3A_16, %get3A_17, %get3A_18] : memref<512x4x128xi32, #tpu.memory_space<vmem>>, vector<512x4x128xi32>
    %slice3A_20 = vector.extract_strided_slice %get3A_19 {offsets = [0, 0, 0], sizes = [512, 1, 128], strides = [1, 1, 1]} : vector<512x4x128xi32> to vector<512x1x128xi32>
    %squeeze3A_21 = vector.shape_cast %slice3A_20 : vector<512x1x128xi32> to vector<512x128xi32>
    %slice3A_22 = vector.extract_strided_slice %get3A_19 {offsets = [0, 1, 0], sizes = [512, 1, 128], strides = [1, 1, 1]} : vector<512x4x128xi32> to vector<512x1x128xi32>
    %squeeze3A_23 = vector.shape_cast %slice3A_22 : vector<512x1x128xi32> to vector<512x128xi32>
    %slice3A_24 = vector.extract_strided_slice %get3A_19 {offsets = [0, 2, 0], sizes = [512, 1, 128], strides = [1, 1, 1]} : vector<512x4x128xi32> to vector<512x1x128xi32>
    %squeeze3A_25 = vector.shape_cast %slice3A_24 : vector<512x1x128xi32> to vector<512x128xi32>
    %slice3A_26 = vector.extract_strided_slice %get3A_19 {offsets = [0, 3, 0], sizes = [512, 1, 128], strides = [1, 1, 1]} : vector<512x4x128xi32> to vector<512x1x128xi32>
    %squeeze3A_27 = vector.shape_cast %slice3A_26 : vector<512x1x128xi32> to vector<512x128xi32>
    %concatenate3A_28 = tpu.concatenate %squeeze3A_21, %squeeze3A_23, %squeeze3A_25, %squeeze3A_27 in 1 : vector<512x128xi32>, vector<512x128xi32>, vector<512x128xi32>, vector<512x128xi32> -> vector<512x512xi32>
    %shift_left3A_29 = arith.constant 16 : i32
    %shift_left3A_30 = vector.broadcast %shift_left3A_29 : i32 to vector<512x512xi32>
    %shift_left3A_31 = arith.shli %concatenate3A_28, %shift_left3A_30 : vector<512x512xi32>
    %bitcast_convert_type3A_32 = tpu.bitcast %shift_left3A_31 : vector<512x512xi32> -> vector<512x512xf32>
    %and3A_33 = arith.constant -65536 : i32
    %and3A_34 = vector.broadcast %and3A_33 : i32 to vector<512x512xi32>
    %and3A_35 = arith.andi %concatenate3A_28, %and3A_34 : vector<512x512xi32>
    %bitcast_convert_type3A_36 = tpu.bitcast %and3A_35 : vector<512x512xi32> -> vector<512x512xf32>
    %concatenate3A_37 = tpu.concatenate %bitcast_convert_type3A_32, %bitcast_convert_type3A_36 in 1 : vector<512x512xf32>, vector<512x512xf32> -> vector<512x1024xf32>
    %convert_element_type3A_38 = arith.truncf %concatenate3A_37 : vector<512x1024xf32> to vector<512x1024xbf16>
    %convert_element_type3A_39 = arith.extf %convert_element_type3A_38 : vector<512x1024xbf16> to vector<512x1024xf32>
    %get3A_40 = arith.constant 0 : index
    %get3A_41 = arith.constant 0 : index
    %get3A_42 = vector.load %arg3[%get3A_40, %get3A_41] : memref<2x512xf32, #tpu.memory_space<vmem>>, vector<2x512xf32>
    %slice3A_43 = vector.extract_strided_slice %get3A_42 {offsets = [0, 0], sizes = [1, 512], strides = [1, 1]} : vector<2x512xf32> to vector<1x512xf32>
    %transpose3A = tpu.transpose %slice3A_43, [1, 0] : vector<1x512xf32> -> vector<512x1xf32>
    %slice3A_44 = vector.extract_strided_slice %get3A_42 {offsets = [1, 0], sizes = [1, 512], strides = [1, 1]} : vector<2x512xf32> to vector<1x512xf32>
    %transpose3A_45 = tpu.transpose %slice3A_44, [1, 0] : vector<1x512xf32> -> vector<512x1xf32>
    %mul3A = vector.broadcast %transpose3A : vector<512x1xf32> to vector<512x1024xf32>
    %mul3A_46 = arith.mulf %mul3A, %convert_element_type3A_15 : vector<512x1024xf32>
    %mul3A_47 = vector.broadcast %transpose3A_45 : vector<512x1xf32> to vector<512x1024xf32>
    %mul3A_48 = arith.mulf %mul3A_47, %convert_element_type3A_39 : vector<512x1024xf32>
    %add3A = arith.addf %mul3A_46, %mul3A_48 : vector<512x1024xf32>
    %get3A_49 = arith.constant 0 : index
    %get3A_50 = arith.constant 0 : index
    %get3A_51 = vector.load %arg4[%get3A_49, %get3A_50] : memref<512x1024xf32, #tpu.memory_space<vmem>>, vector<512x1024xf32>
    %add3A_52 = arith.addf %add3A, %get3A_51 : vector<512x1024xf32>
    %swap3A = arith.constant 0 : index
    %swap3A_53 = arith.constant 0 : index
    %swap3A_54 = vector.load %arg5[%swap3A, %swap3A_53] : memref<512x1024xf32, #tpu.memory_space<vmem>>, vector<512x1024xf32>
    tpu.vector_store %arg5[%swap3A, %swap3A_53], %add3A_52 {strides = array<i32>} : memref<512x1024xf32, #tpu.memory_space<vmem>>, vector<512x1024xf32>,
    return
  }
  func.func @transform_0(%arg0: i32) -> (i32, i32, i32) {
    %c0_i32 = arith.constant 0 : i32
    %c0_i32_0 = arith.constant 0 : i32
    %c0_i32_1 = arith.constant 0 : i32
    return %arg0, %c0_i32, %c0_i32_0 : i32, i32, i32
  }
  func.func @transform_1(%arg0: i32) -> (i32, i32, i32) {
    %add3A = arith.constant 4 : i32
    %add3A_0 = arith.addi %arg0, %add3A : i32
    %c0_i32 = arith.constant 0 : i32
    %c0_i32_1 = arith.constant 0 : i32
    %c0_i32_2 = arith.constant 0 : i32
    return %add3A_0, %c0_i32, %c0_i32_1 : i32, i32, i32
  }
  func.func @transform_2(%arg0: i32) -> (i32, i32) {
    %c0_i32 = arith.constant 0 : i32
    %c0_i32_0 = arith.constant 0 : i32
    return %c0_i32, %arg0 : i32, i32
  }
  func.func @transform_3(%arg0: i32) -> (i32, i32) {
    %c0_i32 = arith.constant 0 : i32
    %c0_i32_0 = arith.constant 0 : i32
    return %arg0, %c0_i32 : i32, i32
  }
  func.func @transform_4(%arg0: i32) -> (i32, i32) {
    %c0_i32 = arith.constant 0 : i32
    %c0_i32_0 = arith.constant 0 : i32
    return %arg0, %c0_i32 : i32, i32
  }
}

</mosaic_0001>

<sc_bundles>
// kernel: kernel.11.cloned.1.call-start
scs
__scs_entry_jumppad:
0x0: {  	(pc) =	sbr.rel $0x88, $3  }
0x1: {  	(tag) =	ssettag $0x0;
	lr =	simm.s32 $0x1  }
0x2: {  	[smem:$0x3F98] =	sst lr;
	_ =	strace $0xD0000000  }
0x3: {  	_ = 	snop  }
0x4: {  	_ = 	snop  }
0x5: {  	_ = 	snop  }
0x6: {  	_ = 	snop  }
0x7: {  	_ = 	snop  }
__scs_overlays_trampoline_lowered:
0x8: {  	[smem:$0x3FA7] =	sst s0  }
0x9: {  	[smem:$0x3FA8] =	sst s1  }
0xa: {  	[smem:$0x3FA9] =	sst s2  }
0xb: {  	[smem:$0x3FAA] =	sst s3  }
0xc: {  	[smem:$0x3FAB] =	sst s4  }
0xd: {  	[smem:$0x3FAC] =	sst s5  }
0xe: {  	[smem:$0x3FAD] =	sst s6  }
0xf: {  	[smem:$0x3FAE] =	sst s7  }
0x10: {  	[smem:$0x3FAF] =	sst s8  }
0x11: {  	[smem:$0x3FB0] =	sst s9;
	s0 =	simm.s32 @!p0 $0x0  }
0x12: {  	s1 =	sld [smem:$0x3F96];
	s0 =	simm.s32 @p0 $0x1  }
0x13: {  	[smem:$0x3FB1] =	sst s0;
	s0 =	simm.s32 @!p1 $0x0  }
0x14: {  	s2 =	sld [smem:$0x3F95];
	s0 =	simm.s32 @p1 $0x1  }
0x15: {  	[smem:$0x3FB2] =	sst s0;
	s0 =	simm.s32 @!p2 $0x0  }
0x16: {  	s3 =	sld [smem:$0x3FDB];
	s0 =	simm.s32 @p2 $0x1  }
0x17: {  	s4 =	simm.s32 $0x1BF5;
	[smem:$0x3FB4] =	sst s0  }
0x18: {  	s0 =	sld [smem:$0x3F97];
	_ =	swait.ge [sflag:s4], $0x0  }
0x19: {  	s7 =	sld [smem:$0x3F98]  }
0x1a: {  	s8 =	sadd.s32 $0xFFFFE003, lr  }
0x1b: {  	s9 =	sadd.s32 $0xFFFFFEF7, lr;
	s5 =	simm.s32 $0xFFFFFFFF;
	p2 =	slt.u32 s8, $0xFFFFF086  }
0x1c: {  	p1 =	slt.u32 s9, $0xF7A;
	s5 =	simm.s32 @!p2 $0x0  }
0x1d: {  	s5 =	simm.s32 @p1 $0x1;
	p0 =	seq.s32 s7, s2  }
0x1e: {  	s7 =	smul.u32 @!p0 $0xF7A, s2;
	p2 =	seq.s32 @!p0 s5, $0x0  }
0x1f: {  	s9 =	smul.u32 $0xF7A, s1;
	s8 =	simm.s32 @!p0 $0x1BF5;
	p2 =	por !p2, p0  }
0x20: {  	[sflag:s8] =	ssyncset.s32 @!p0 $0xFFFFF086;
	s6 =	sadd.s32 @!p0 s3, s7;
	s7 =	simm.s32 @!p0 $0x108  }
0x21: {  	s3 =	sadd.s32 s3, s9;
	s6 =	sadd.s32 @!p0 $0x88, s6;
	s7 =	simm.s32 @p2 $0x1082  }
0x22: {  	[simem:s7], [sflag:s8] =	dma.local @!p0 [hbm:s6], $0xF7A  }
0x23: {  	s9 =	sor.u32 $0xD0000000, s2;
	s6 =	simm.s32 $0x108;
	_ =	swait.ge @!p0 [sflag:s8], $0x0  }
0x24: {  	s3 =	sadd.s32 $0x88, s3;
	s6 =	simm.s32 @!p1 $0x1082;
	[sflag:s4] =	ssyncset.s32 $0xFFFFF086  }
0x25: {  	[simem:s6], [sflag:s4] =	dma.local [hbm:s3], $0xF7A  }
0x26: {  	[smem:$0x3F98] =	sst s1;
	(tag) =	ssettag s2;
	_ =	strace s9  }
0x27: {  	s1 =	sld [smem:$0x3FA8]  }
0x28: {  	s2 =	sld [smem:$0x3FA9]  }
0x29: {  	s4 =	sld [smem:$0x3FAB]  }
0x2a: {  	p0 =	seq.s32 s5, $0x0;
	s5 =	sld [smem:$0x3FAC]  }
0x2b: {  	s6 =	sld [smem:$0x3FAD]  }
0x2c: {  	s7 =	sld [smem:$0x3FAE]  }
0x2d: {  	s3 =	simm.s32 $0x108;
	s8 =	sld [smem:$0x3FAF]  }
0x2e: {  	s3 =	simm.s32 @!p0 $0x1082;
	s9 =	sld [smem:$0x3FB0]  }
0x2f: {  	lr =	sadd.s32 s0, s3;
	s0 =	sld [smem:$0x3FA7]  }
0x30: {  	s3 =	sld [smem:$0x3FAA]  }
0x31: {  	[smem:$0x3FB3] =	sst s10  }
0x32: {  	s10 =	sld [smem:$0x3FB1];
	_ =	sdelay $0x3  }
0x33: {  	p0 =	seq.s32 s10, $0x1;
	s10 =	sld [smem:$0x3FB3];
	_ =	sdelay $0x3  }
0x34: {  	[smem:$0x3FB3] =	sst s10  }
0x35: {  	s10 =	sld [smem:$0x3FB2];
	_ =	sdelay $0x3  }
0x36: {  	p1 =	seq.s32 s10, $0x1;
	s10 =	sld [smem:$0x3FB3];
	_ =	sdelay $0x3  }
0x37: {  	[smem:$0x3FB3] =	sst s10  }
0x38: {  	s10 =	sld [smem:$0x3FB4]  }
0x39: {  	_ = 	snop;
	(pc) =	sbr.ind lr, $3  }
0x3a: {  	_ = 	snop  }
0x3b: {  	_ = 	snop  }
0x3c: {  	p2 =	seq.s32 s10, $0x1;
	s10 =	sld [smem:$0x3FB3]  }
0x3d: {  	_ =	shalt  }
0x3e: {  	_ =	shalt  }
0x3f: {  	_ =	shalt  }
0x40: {  	_ =	shalt  }
0x41: {  	_ =	shalt  }
0x42: {  	_ =	shalt  }
0x43: {  	_ =	shalt  }
0x44: {  	_ =	shalt  }
0x45: {  	_ =	shalt  }
0x46: {  	_ =	shalt  }
0x47: {  	_ =	shalt  }
0x48: {  	_ =	shalt  }
0x49: {  	_ =	shalt  }
0x4a: {  	_ =	shalt  }
0x4b: {  	_ =	shalt  }
0x4c: {  	_ =	shalt  }
0x4d: {  	_ =	shalt  }
0x4e: {  	_ =	shalt  }
0x4f: {  	_ =	shalt  }
0x50: {  	_ =	shalt  }
0x51: {  	_ =	shalt  }
0x52: {  	_ =	shalt  }
0x53: {  	_ =	shalt  }
0x54: {  	_ =	shalt  }
0x55: {  	_ =	shalt  }
0x56: {  	_ =	shalt  }
0x57: {  	_ =	shalt  }
0x58: {  	_ =	shalt  }
0x59: {  	_ =	shalt  }
0x5a: {  	_ =	shalt  }
0x5b: {  	_ =	shalt  }
0x5c: {  	_ =	shalt  }
0x5d: {  	_ =	shalt  }
0x5e: {  	_ =	shalt  }
0x5f: {  	_ =	shalt  }
0x60: {  	_ =	shalt  }
0x61: {  	_ =	shalt  }
0x62: {  	_ =	shalt  }
0x63: {  	_ =	shalt  }
0x64: {  	_ =	shalt  }
0x65: {  	_ =	shalt  }
0x66: {  	_ =	shalt  }
0x67: {  	_ =	shalt  }
0x68: {  	_ =	shalt  }
0x69: {  	_ =	shalt  }
0x6a: {  	_ =	shalt  }
0x6b: {  	_ =	shalt  }
0x6c: {  	_ =	shalt  }
0x6d: {  	_ =	shalt  }
0x6e: {  	_ =	shalt  }
0x6f: {  	_ =	shalt  }
0x70: {  	_ =	shalt  }
0x71: {  	_ =	shalt  }
0x72: {  	_ =	shalt  }
0x73: {  	_ =	shalt  }
0x74: {  	_ =	shalt  }
0x75: {  	_ =	shalt  }
0x76: {  	_ =	shalt  }
0x77: {  	_ =	shalt  }
0x78: {  	_ =	shalt  }
0x79: {  	_ =	shalt  }
0x7a: {  	_ =	shalt  }
0x7b: {  	_ =	shalt  }
0x7c: {  	_ =	shalt  }
0x7d: {  	_ =	shalt  }
0x7e: {  	_ =	shalt  }
0x7f: {  	_ =	shalt  }
0x80: {  	_ =	shalt  }
0x81: {  	_ =	shalt  }
0x82: {  	_ =	shalt  }
0x83: {  	_ =	shalt  }
0x84: {  	_ =	shalt  }
0x85: {  	_ =	shalt  }
0x86: {  	_ =	shalt  }
0x87: {  	_ =	shalt  }
.Lfunc_end0:
.L_simem_size_0:
called_computation.1_lowered:
.L_overlay_start_0:
0x88: {  	s2 =	sld [smem:$0x3FD9]  }
0x89: {  	s3 =	sld [smem:$0x3FFE];
	_ =	sdelay $0x1  }
0x8a: {  	s1 =	srdreg.scid  }
0x8b: {  	s0 =	sand.u32 $0x1, s1  }
0x8c: {  	s14 =	sshll.u32 s0, $0xA;
	s2 =	sadd.s32 s3, s2  }
0x8d: {  	s2 =	sadd.s32 s2, s14  }
0x8e: {  	[smem:$0x3FBF] =	sst s2  }
0x8f: {  	_ = 	snop  }
0x90: {  	s2 =	sld [smem:$0x3FD0];
	_ =	sdelay $0x2  }
0x91: {  	s15 =	simm.s32 $0xA;
	s4 =	simm.s32 $0x10  }
0x92: {  	[smem:s4], [sflag:s15] =	dma.local [hbm:s2], $0x1  }
0x93: {  	_ =	swait.eq [sflag:s15], $0x1  }
0x94: {  	[sflag:s15] =	ssyncset.done $0x0  }
0x95: {  	[sflag:s15] =	ssyncadd.s32 $0xFFFFFFFF  }
0x96: {  	s16 =	sld [smem:$0x10];
	(tm) =	ssettm $0x1  }
0x97: {  	s17 =	sld [smem:$0x3FFB];
	_ =	sdelay $0x3  }
0x98: {  	_ =	strace s17  }
0x99: {  	s3 =	sld [smem:$0x3FFC];
	_ =	sdelay $0x3  }
0x9a: {  	_ =	strace s3  }
0x9b: {  	s3 =	sld [smem:$0x3FFD];
	_ =	sdelay $0x3  }
0x9c: {  	_ =	strace s3  }
0x9d: {  	_ =	strace $0x8FFFFFFF  }
0x9e: {  	s18 =	sld [smem:$0x3FDB];
	_ =	sdelay $0x1  }
0x9f: {  	s19 =	simm.s32 $_scs_section_size  }
0xa0: {  	s5 =	simm.s32 $_size__tile_overlayer_lowered;
	s6 =	simm.s32 $_tile_overlayer_lowered  }
0xa1: {  	s22 =	simm.s32 $0x1BFF;
	s21 =	sshll.u32 s6, $0x1;
	s3 =	sadd.s32 s19, s18  }
0xa2: {  	s7 =	simm.s32 $0x0;
	s20 =	sshll.u32 s5, $0x1;
	s5 =	sadd.s32 s21, s3  }
0xa3: {  	[timem:s7], [sflag:s22] =	dma.local [hbm:s5], s20  }
0xa4: {  	_ =	swait.ge [sflag:s22], s20  }
0xa5: {  	s4 =	ssub.s32 $0x0, s20;
	[sflag:s22] =	ssyncset.done $0x0  }
0xa6: {  	[sflag:s22] =	ssyncadd.s32 s4;
	_ =	sdelay $0x1  }
0xa7: {  	s23 =	simm.s32 $0x1B8B  }
0xa8: {  	_ =	swait.ge [sflag:s23], $0x1  }
0xa9: {  	[sflag:s23] =	ssyncset.done $0x0  }
0xaa: {  	s25 =	simm.s32 $0x1B8E;
	s24 =	sld [smem:$0x3FFE];
	[sflag:s23] =	ssyncadd.s32 $0xFFFFFFFF  }
0xab: {  	s26 =	simm.s32 $execute0_lowered;
	[smem:$0x3FD2] =	sst s25  }
0xac: {  	s5 =	sshll.u32 s26, $0x1;
	_ =	strace $0x80000049;
	[dreg:$0x1] =	wrdreg $0xFFFFFFFF  }
0xad: {  	s28 =	simm.s32 $_size_execute0_lowered;
	s3 =	sadd.s32 s3, s5;
	[dreg:$0x0] =	wrdreg $0x0  }
0xae: {  	s5 =	sshll.u32 s28, $0x1;
	[dreg:$0x2] =	wrdreg s3  }
0xaf: {  	[dreg:$0x3] =	wrdreg s5  }
0xb0: {  	[dreg:$0x4] =	wrdreg $0xC0  }
0xb1: {  	_ =	task [dreg:s7], $0x5FFFF  }
0xb2: {  	[dreg:$0x1] =	wrdreg $0xFFFFFFFF  }
0xb3: {  	[dreg:$0x0] =	wrdreg $0x60  }
0xb4: {  	[dreg:$0x2] =	wrdreg s24  }
0xb5: {  	[dreg:$0x3] =	wrdreg s16  }
0xb6: {  	[dreg:$0x4] =	wrdreg $0x9  }
0xb7: {  	_ =	task.clear_ibuf [dreg:s7], $0x5FFFF;
	_ =	strace $0x90000049  }
0xb8: {  	s29 =	simm.s32 $0x9;
	_ =	strace $0x8000004B  }
0xb9: {  	_ =	swait.ge [sflag:s29], $0x1  }
0xba: {  	[sflag:s29] =	ssyncadd.s32 $0xFFFFFFFF  }
0xbb: {  	_ =	strace $0x9000004B  }
0xbc: {  	_ =	sfence  }
0xbd: {  	s30 =	sld [smem:$0x0];
	_ =	sdelay $0x2  }
0xbe: {  	s31 =	sshll.u32 s1, $0xD;
	s1 =	sshrl.u32 s1, $0x2  }
0xbf: {  	s3 =	sand.u32 $0x4000, s31;
	s1 =	sadd.s32 s1, s30  }
0xc0: {  	s0 =	sor.u32 s3, s0;
	s1 =	sshll.u32 s1, $0x11  }
0xc1: {  	s0 =	sor.u32 s1, s0  }
0xc2: {  	s0 =	sadd.s32 $0x8F2B, s0  }
0xc3: {  	[sflag:s0] =	ssyncadd.remote.s32 $0x1  }
0xc4: {  	_ =	sfence.sel $0xFFFF  }
0xc5: {  	[dreg:$0x0] =	wrdreg $0xFFFFFFFF;
	(pc) =	sbr.abs _section_cstart, $3  }
0xc6: {  	[dreg:$0x1] =	wrdreg $0xFFFFFFFF  }
0xc7: {  	_ =	task.clear_ibuf [dreg:s7], $0x2FFFF;
	_ =	strace $0x9FFFFFFF  }
0xc8: {  	(tm) =	ssettm $0x7FFFFFFF  }
0xc9: {  	_ =	shalt  }
tec
execute0_lowered:
.L_overlay_start_1:
0x0: {  	(tag) =	ssettag $0x1  }
0x1: {  	s1 =	srdreg.scid  }
0x2: {  	s0 =	stileid.u32;
	s6 =	sand.u32 $0x1, s1  }
0x3: {  	s5 =	rddreg [dreg:$0x0];
	s30 =	sshll.u32 s0, $0x8;
	s2 =	sshll.u32 s6, $0x7  }
0x4: {  	s8 =	rddreg [dreg:$0x1];
	s9 =	sor.u32 s2, s30  }
0x5: {  	s1 =	rddreg [dreg:$0x2];
	s2 =	simm.s32 $0x0;
	s3 =	sshrl.u32 s9, $0x3  }
0x6: {  	s10 =	ssub.s32 $0x2, s6;
	[smem:$0x7FF] =	sst s2;
	s3 =	sadd.s32 s3, s5  }
0x7: {  	_ =	strace $0x8000004A;
	s4 =	sadd.s32 $0x1A00, s3;
	s3 =	simm.s32 $0x2  }
0x8: {  	[tilespmem:s2], [sflag:$0x2] =	stream.linear.gather [hbm4b:s4+s2], $0x80, $0x38;
	[tilespmem:$0x10080] =	vst v63  }
0x9: {  	s7 =	simm.s32 $0x1;
	s11 =	sshrl.u32 s10, $0x1;
	_ =	swait.ge [sflag:s3], $0x80  }
0xa: {  	s6 =	simm.s32 $0x80;
	s10 =	ssub.s32 s10, s11;
	[sflag:s3] =	ssyncset.done $0x0  }
0xb: {  	s5 =	sadd.s32 $0x1C00, s5;
	s31 =	smax.u32 s10, $0x1;
	[sflag:s3] =	ssyncadd.s32 $0xFFFFFF80  }
0xc: {  	[tilespmem:s6], [sflag:$0x1] =	stream.indirect.gather [hbm4b:s5+s6], $0x200, s2, s6, $0xb8;
	[tilespmem:$0x10080] =	vst v63  }
0xd: {  	p0 =	sne.s32 s31, $0x1;
	_ =	swait.ge [sflag:s7], $0x10000  }
.Ltmp0:
0xe: {  	s9 =	sshll.u32 s9, $0x6;
	[sflag:s7] =	ssyncset.done $0x0;
	(pc) =	sbr.rel @!p0 .LBB2_2-.Ltmp0, $4  }
0xf: {  	s8 =	sadd.s32 s8, s9;
	[sflag:s7] =	ssyncadd.s32 $0xFFFF0000  }
0x10: {  	[hbm4b:s8+s2] =	stream.linear.scatter [tilespmem:s6], [sflag:$0x2], $0x10000, $0x38;
	[tilespmem:$0x10080] =	vst v63  }
0x11: {  	_ =	swait.ge [sflag:s3], $0x10000  }
0x12: {  	s9 =	sadd.s32 $0xFFFFFFFF, s31;
	[sflag:s3] =	ssyncset.done $0x0  }
.LBB2_1:
0x13: {  	p0 =	sne.s32 s9, $0x1;
	s9 =	sadd.s32 $0xFFFFFFFF, s9;
	[sflag:s3] =	ssyncadd.s32 $0xFFFF0000  }
0x14: {  	[tilespmem:s2], [sflag:$0x2] =	stream.linear.gather [hbm4b:s4+s2], $0x80, $0x38;
	[tilespmem:$0x10080] =	vst v63  }
0x15: {  	_ =	swait.ge [sflag:s3], $0x80  }
0x16: {  	[sflag:s3] =	ssyncset.done $0x0  }
0x17: {  	[sflag:s3] =	ssyncadd.s32 $0xFFFFFF80  }
0x18: {  	[tilespmem:s6], [sflag:$0x1] =	stream.indirect.gather [hbm4b:s5+s6], $0x200, s2, s6, $0xb8;
	[tilespmem:$0x10080] =	vst v63  }
0x19: {  	_ =	swait.ge [sflag:s7], $0x10000  }
.Ltmp1:
0x1a: {  	[sflag:s7] =	ssyncset.done $0x0;
	(pc) =	sbr.rel @p0 .LBB2_1-.Ltmp1, $4  }
0x1b: {  	[sflag:s7] =	ssyncadd.s32 $0xFFFF0000  }
0x1c: {  	[hbm4b:s8+s2] =	stream.linear.scatter [tilespmem:s6], [sflag:$0x2], $0x10000, $0x38;
	[tilespmem:$0x10080] =	vst v63  }
0x1d: {  	_ =	swait.ge [sflag:s3], $0x10000  }
0x1e: {  	[sflag:s3] =	ssyncset.done $0x0  }
.LBB2_2:
0x1f: {  	[sflag:s3] =	ssyncadd.s32 $0xFFFF0000  }
0x20: {  	_ =	sfence.sel $0x180000  }
0x21: {  	[bflag:$0x0] =	sbarrier.arrive $0xFFFF  }
0x22: {  	p0 =	sne.s32 s0, $0x0;
	_ =	strace $0x9000004A  }
0x23: {  	s0 =	sadd.s32 @!p0 $0x100000, s1;
	[bflag:$0x2] =	sbarrier.arrive $0xFFFF  }
0x24: {  	[sflag:s0] =	ssyncadd.tile.s32 @!p0 $0x1;
	_ =	shalt  }
.Lfunc_end2:
_tile_overlayer_lowered:
.L_overlay_start_2:
0x25: {  	(tag) =	ssettag $0x2  }
0x26: {  	s0 =	rddreg [dreg:$0x0];
	s2 =	stileid.u32  }
0x27: {  	s1 =	rddreg [dreg:$0x1];
	p0 =	sne.s32 s2, $0x0  }
0x28: {  	s3 =	rddreg [dreg:$0x2];
	[bflag:$0x3] =	sbarrier.arrive $0xFFFF;
	s2 =	simm.s32 @!p0 $0x1C02  }
0x29: {  	[timem:s3], [sflag:s2] =	dma.local @!p0 [hbm:s0], s1  }
0x2a: {  	s0 =	simm.s32 @!p0 $0x2  }
0x2b: {  	_ =	swait.ge @!p0 [sflag:s0], s1  }
0x2c: {  	s1 =	ssub.s32 @!p0 $0x0, s1;
	[sflag:s0] =	ssyncset.done @!p0 $0x0  }
0x2d: {  	[sflag:s0] =	ssyncadd.s32 @!p0 s1  }
0x2e: {  	[bflag:$0x3] =	sbarrier.arrive $0xFFFF  }
0x2f: {  	_ =	shalt  }

// kernel: kernel.8.cloned.1.call-start
scs
__scs_entry_jumppad:
0x0: {  	(pc) =	sbr.rel $0x88, $3  }
0x1: {  	(tag) =	ssettag $0x0;
	lr =	simm.s32 $0x1  }
0x2: {  	[smem:$0x3F98] =	sst lr;
	_ =	strace $0xD0000000  }
0x3: {  	_ = 	snop  }
0x4: {  	_ = 	snop  }
0x5: {  	_ = 	snop  }
0x6: {  	_ = 	snop  }
0x7: {  	_ = 	snop  }
__scs_overlays_trampoline_lowered:
0x8: {  	[smem:$0x3FA7] =	sst s0  }
0x9: {  	[smem:$0x3FA8] =	sst s1  }
0xa: {  	[smem:$0x3FA9] =	sst s2  }
0xb: {  	[smem:$0x3FAA] =	sst s3  }
0xc: {  	[smem:$0x3FAB] =	sst s4  }
0xd: {  	[smem:$0x3FAC] =	sst s5  }
0xe: {  	[smem:$0x3FAD] =	sst s6  }
0xf: {  	[smem:$0x3FAE] =	sst s7  }
0x10: {  	[smem:$0x3FAF] =	sst s8  }
0x11: {  	[smem:$0x3FB0] =	sst s9;
	s0 =	simm.s32 @!p0 $0x0  }
0x12: {  	s1 =	sld [smem:$0x3F96];
	s0 =	simm.s32 @p0 $0x1  }
0x13: {  	[smem:$0x3FB1] =	sst s0;
	s0 =	simm.s32 @!p1 $0x0  }
0x14: {  	s2 =	sld [smem:$0x3F95];
	s0 =	simm.s32 @p1 $0x1  }
0x15: {  	[smem:$0x3FB2] =	sst s0;
	s0 =	simm.s32 @!p2 $0x0  }
0x16: {  	s3 =	sld [smem:$0x3FDB];
	s0 =	simm.s32 @p2 $0x1  }
0x17: {  	s4 =	simm.s32 $0x1BF5;
	[smem:$0x3FB4] =	sst s0  }
0x18: {  	s0 =	sld [smem:$0x3F97];
	_ =	swait.ge [sflag:s4], $0x0  }
0x19: {  	s7 =	sld [smem:$0x3F98]  }
0x1a: {  	s8 =	sadd.s32 $0xFFFFE003, lr  }
0x1b: {  	s9 =	sadd.s32 $0xFFFFFEF7, lr;
	s5 =	simm.s32 $0xFFFFFFFF;
	p2 =	slt.u32 s8, $0xFFFFF086  }
0x1c: {  	p1 =	slt.u32 s9, $0xF7A;
	s5 =	simm.s32 @!p2 $0x0  }
0x1d: {  	s5 =	simm.s32 @p1 $0x1;
	p0 =	seq.s32 s7, s2  }
0x1e: {  	s7 =	smul.u32 @!p0 $0xF7A, s2;
	p2 =	seq.s32 @!p0 s5, $0x0  }
0x1f: {  	s9 =	smul.u32 $0xF7A, s1;
	s8 =	simm.s32 @!p0 $0x1BF5;
	p2 =	por !p2, p0  }
0x20: {  	[sflag:s8] =	ssyncset.s32 @!p0 $0xFFFFF086;
	s6 =	sadd.s32 @!p0 s3, s7;
	s7 =	simm.s32 @!p0 $0x108  }
0x21: {  	s3 =	sadd.s32 s3, s9;
	s6 =	sadd.s32 @!p0 $0x88, s6;
	s7 =	simm.s32 @p2 $0x1082  }
0x22: {  	[simem:s7], [sflag:s8] =	dma.local @!p0 [hbm:s6], $0xF7A  }
0x23: {  	s9 =	sor.u32 $0xD0000000, s2;
	s6 =	simm.s32 $0x108;
	_ =	swait.ge @!p0 [sflag:s8], $0x0  }
0x24: {  	s3 =	sadd.s32 $0x88, s3;
	s6 =	simm.s32 @!p1 $0x1082;
	[sflag:s4] =	ssyncset.s32 $0xFFFFF086  }
0x25: {  	[simem:s6], [sflag:s4] =	dma.local [hbm:s3], $0xF7A  }
0x26: {  	[smem:$0x3F98] =	sst s1;
	(tag) =	ssettag s2;
	_ =	strace s9  }
0x27: {  	s1 =	sld [smem:$0x3FA8]  }
0x28: {  	s2 =	sld [smem:$0x3FA9]  }
0x29: {  	s4 =	sld [smem:$0x3FAB]  }
0x2a: {  	p0 =	seq.s32 s5, $0x0;
	s5 =	sld [smem:$0x3FAC]  }
0x2b: {  	s6 =	sld [smem:$0x3FAD]  }
0x2c: {  	s7 =	sld [smem:$0x3FAE]  }
0x2d: {  	s3 =	simm.s32 $0x108;
	s8 =	sld [smem:$0x3FAF]  }
0x2e: {  	s3 =	simm.s32 @!p0 $0x1082;
	s9 =	sld [smem:$0x3FB0]  }
0x2f: {  	lr =	sadd.s32 s0, s3;
	s0 =	sld [smem:$0x3FA7]  }
0x30: {  	s3 =	sld [smem:$0x3FAA]  }
0x31: {  	[smem:$0x3FB3] =	sst s10  }
0x32: {  	s10 =	sld [smem:$0x3FB1];
	_ =	sdelay $0x3  }
0x33: {  	p0 =	seq.s32 s10, $0x1;
	s10 =	sld [smem:$0x3FB3];
	_ =	sdelay $0x3  }
0x34: {  	[smem:$0x3FB3] =	sst s10  }
0x35: {  	s10 =	sld [smem:$0x3FB2];
	_ =	sdelay $0x3  }
0x36: {  	p1 =	seq.s32 s10, $0x1;
	s10 =	sld [smem:$0x3FB3];
	_ =	sdelay $0x3  }
0x37: {  	[smem:$0x3FB3] =	sst s10  }
0x38: {  	s10 =	sld [smem:$0x3FB4]  }
0x39: {  	_ = 	snop;
	(pc) =	sbr.ind lr, $3  }
0x3a: {  	_ = 	snop  }
0x3b: {  	_ = 	snop  }
0x3c: {  	p2 =	seq.s32 s10, $0x1;
	s10 =	sld [smem:$0x3FB3]  }
0x3d: {  	_ =	shalt  }
0x3e: {  	_ =	shalt  }
0x3f: {  	_ =	shalt  }
0x40: {  	_ =	shalt  }
0x41: {  	_ =	shalt  }
0x42: {  	_ =	shalt  }
0x43: {  	_ =	shalt  }
0x44: {  	_ =	shalt  }
0x45: {  	_ =	shalt  }
0x46: {  	_ =	shalt  }
0x47: {  	_ =	shalt  }
0x48: {  	_ =	shalt  }
0x49: {  	_ =	shalt  }
0x4a: {  	_ =	shalt  }
0x4b: {  	_ =	shalt  }
0x4c: {  	_ =	shalt  }
0x4d: {  	_ =	shalt  }
0x4e: {  	_ =	shalt  }
0x4f: {  	_ =	shalt  }
0x50: {  	_ =	shalt  }
0x51: {  	_ =	shalt  }
0x52: {  	_ =	shalt  }
0x53: {  	_ =	shalt  }
0x54: {  	_ =	shalt  }
0x55: {  	_ =	shalt  }
0x56: {  	_ =	shalt  }
0x57: {  	_ =	shalt  }
0x58: {  	_ =	shalt  }
0x59: {  	_ =	shalt  }
0x5a: {  	_ =	shalt  }
0x5b: {  	_ =	shalt  }
0x5c: {  	_ =	shalt  }
0x5d: {  	_ =	shalt  }
0x5e: {  	_ =	shalt  }
0x5f: {  	_ =	shalt  }
0x60: {  	_ =	shalt  }
0x61: {  	_ =	shalt  }
0x62: {  	_ =	shalt  }
0x63: {  	_ =	shalt  }
0x64: {  	_ =	shalt  }
0x65: {  	_ =	shalt  }
0x66: {  	_ =	shalt  }
0x67: {  	_ =	shalt  }
0x68: {  	_ =	shalt  }
0x69: {  	_ =	shalt  }
0x6a: {  	_ =	shalt  }
0x6b: {  	_ =	shalt  }
0x6c: {  	_ =	shalt  }
0x6d: {  	_ =	shalt  }
0x6e: {  	_ =	shalt  }
0x6f: {  	_ =	shalt  }
0x70: {  	_ =	shalt  }
0x71: {  	_ =	shalt  }
0x72: {  	_ =	shalt  }
0x73: {  	_ =	shalt  }
0x74: {  	_ =	shalt  }
0x75: {  	_ =	shalt  }
0x76: {  	_ =	shalt  }
0x77: {  	_ =	shalt  }
0x78: {  	_ =	shalt  }
0x79: {  	_ =	shalt  }
0x7a: {  	_ =	shalt  }
0x7b: {  	_ =	shalt  }
0x7c: {  	_ =	shalt  }
0x7d: {  	_ =	shalt  }
0x7e: {  	_ =	shalt  }
0x7f: {  	_ =	shalt  }
0x80: {  	_ =	shalt  }
0x81: {  	_ =	shalt  }
0x82: {  	_ =	shalt  }
0x83: {  	_ =	shalt  }
0x84: {  	_ =	shalt  }
0x85: {  	_ =	shalt  }
0x86: {  	_ =	shalt  }
0x87: {  	_ =	shalt  }
.Lfunc_end0:
.L_simem_size_0:
called_computation_lowered:
.L_overlay_start_0:
0x88: {  	s2 =	sld [smem:$0x3FD9]  }
0x89: {  	s3 =	sld [smem:$0x3FFE];
	_ =	sdelay $0x1  }
0x8a: {  	s1 =	srdreg.scid  }
0x8b: {  	s0 =	sand.u32 $0x1, s1  }
0x8c: {  	s14 =	sshll.u32 s0, $0xA;
	s2 =	sadd.s32 s3, s2  }
0x8d: {  	s2 =	sadd.s32 s2, s14  }
0x8e: {  	[smem:$0x3FBF] =	sst s2  }
0x8f: {  	_ = 	snop  }
0x90: {  	s2 =	sld [smem:$0x3FD0];
	_ =	sdelay $0x2  }
0x91: {  	s15 =	simm.s32 $0xA;
	s4 =	simm.s32 $0x10  }
0x92: {  	[smem:s4], [sflag:s15] =	dma.local [hbm:s2], $0x1  }
0x93: {  	_ =	swait.eq [sflag:s15], $0x1  }
0x94: {  	[sflag:s15] =	ssyncset.done $0x0  }
0x95: {  	[sflag:s15] =	ssyncadd.s32 $0xFFFFFFFF  }
0x96: {  	s16 =	sld [smem:$0x10];
	(tm) =	ssettm $0x1  }
0x97: {  	s17 =	sld [smem:$0x3FFB];
	_ =	sdelay $0x3  }
0x98: {  	_ =	strace s17  }
0x99: {  	s3 =	sld [smem:$0x3FFC];
	_ =	sdelay $0x3  }
0x9a: {  	_ =	strace s3  }
0x9b: {  	s3 =	sld [smem:$0x3FFD];
	_ =	sdelay $0x3  }
0x9c: {  	_ =	strace s3  }
0x9d: {  	_ =	strace $0x8FFFFFFF  }
0x9e: {  	s18 =	sld [smem:$0x3FDB];
	_ =	sdelay $0x1  }
0x9f: {  	s19 =	simm.s32 $_scs_section_size  }
0xa0: {  	s5 =	simm.s32 $_size__tile_overlayer_lowered;
	s6 =	simm.s32 $_tile_overlayer_lowered  }
0xa1: {  	s22 =	simm.s32 $0x1BFF;
	s21 =	sshll.u32 s6, $0x1;
	s3 =	sadd.s32 s19, s18  }
0xa2: {  	s7 =	simm.s32 $0x0;
	s20 =	sshll.u32 s5, $0x1;
	s5 =	sadd.s32 s21, s3  }
0xa3: {  	[timem:s7], [sflag:s22] =	dma.local [hbm:s5], s20  }
0xa4: {  	_ =	swait.ge [sflag:s22], s20  }
0xa5: {  	s4 =	ssub.s32 $0x0, s20;
	[sflag:s22] =	ssyncset.done $0x0  }
0xa6: {  	[sflag:s22] =	ssyncadd.s32 s4;
	_ =	sdelay $0x1  }
0xa7: {  	s23 =	simm.s32 $0x1B8B  }
0xa8: {  	_ =	swait.ge [sflag:s23], $0x1  }
0xa9: {  	[sflag:s23] =	ssyncset.done $0x0  }
0xaa: {  	s25 =	simm.s32 $0x1B8E;
	s24 =	sld [smem:$0x3FFE];
	[sflag:s23] =	ssyncadd.s32 $0xFFFFFFFF  }
0xab: {  	s26 =	simm.s32 $execute0_lowered;
	[smem:$0x3FD2] =	sst s25  }
0xac: {  	s5 =	sshll.u32 s26, $0x1;
	_ =	strace $0x80000046;
	[dreg:$0x1] =	wrdreg $0xFFFFFFFF  }
0xad: {  	s28 =	simm.s32 $_size_execute0_lowered;
	s3 =	sadd.s32 s3, s5;
	[dreg:$0x0] =	wrdreg $0x0  }
0xae: {  	s5 =	sshll.u32 s28, $0x1;
	[dreg:$0x2] =	wrdreg s3  }
0xaf: {  	[dreg:$0x3] =	wrdreg s5  }
0xb0: {  	[dreg:$0x4] =	wrdreg $0xC0  }
0xb1: {  	_ =	task [dreg:s7], $0x5FFFF  }
0xb2: {  	[dreg:$0x1] =	wrdreg $0xFFFFFFFF  }
0xb3: {  	[dreg:$0x0] =	wrdreg $0x60  }
0xb4: {  	[dreg:$0x2] =	wrdreg s16  }
0xb5: {  	[dreg:$0x3] =	wrdreg s24  }
0xb6: {  	[dreg:$0x4] =	wrdreg $0x9  }
0xb7: {  	_ =	task.clear_ibuf [dreg:s7], $0x5FFFF;
	_ =	strace $0x90000046  }
0xb8: {  	s29 =	simm.s32 $0x9;
	_ =	strace $0x80000048  }
0xb9: {  	_ =	swait.ge [sflag:s29], $0x1  }
0xba: {  	[sflag:s29] =	ssyncadd.s32 $0xFFFFFFFF  }
0xbb: {  	_ =	strace $0x90000048  }
0xbc: {  	_ =	sfence  }
0xbd: {  	s30 =	sld [smem:$0x0];
	_ =	sdelay $0x2  }
0xbe: {  	s31 =	sshll.u32 s1, $0xD;
	s1 =	sshrl.u32 s1, $0x2  }
0xbf: {  	s3 =	sand.u32 $0x4000, s31;
	s1 =	sadd.s32 s1, s30  }
0xc0: {  	s0 =	sor.u32 s3, s0;
	s1 =	sshll.u32 s1, $0x11  }
0xc1: {  	s0 =	sor.u32 s1, s0  }
0xc2: {  	s0 =	sadd.s32 $0x8F2B, s0  }
0xc3: {  	[sflag:s0] =	ssyncadd.remote.s32 $0x1  }
0xc4: {  	_ =	sfence.sel $0xFFFF  }
0xc5: {  	[dreg:$0x0] =	wrdreg $0xFFFFFFFF;
	(pc) =	sbr.abs _section_cstart, $3  }
0xc6: {  	[dreg:$0x1] =	wrdreg $0xFFFFFFFF  }
0xc7: {  	_ =	task.clear_ibuf [dreg:s7], $0x2FFFF;
	_ =	strace $0x9FFFFFFF  }
0xc8: {  	(tm) =	ssettm $0x7FFFFFFF  }
0xc9: {  	_ =	shalt  }
tec
execute0_lowered:
.L_overlay_start_1:
0x0: {  	(tag) =	ssettag $0x1  }
0x1: {  	s1 =	srdreg.scid  }
0x2: {  	s0 =	stileid.u32;
	s7 =	sand.u32 $0x1, s1  }
0x3: {  	s2 =	sshll.u32 s0, $0x8;
	s3 =	sshll.u32 s7, $0x7  }
0x4: {  	s9 =	rddreg [dreg:$0x1];
	s4 =	sor.u32 s3, s2  }
0x5: {  	s1 =	rddreg [dreg:$0x0];
	p0 =	sgt.u32 s0, $0x7;
	s6 =	sadd.s32 $0xFFFFF800, s4  }
0x6: {  	v7 =	vlaneseq.u32;
	s3 =	simm.s32 $0x0;
	s5 =	sshrl.u32 s4, $0x3;
	s4 =	smov.u32 @p0 s6  }
0x7: {  	[smem:$0x7FF] =	sst s3;
	s6 =	sor.u32 $0x20, s4;
	v3 =	vor.u32 s4, v7  }
0x8: {  	s2 =	rddreg [dreg:$0x2];
	_ =	strace $0x80000047;
	s28 =	sor.u32 $0x30, s4;
	v0 =	vor.u32 s6, v7;
	[tilespmem:$0x0] =	vst v3  }
0x9: {  	s29 =	sor.u32 $0x40, s4;
	v1 =	vor.u32 s28, v7;
	[tilespmem:$0x20] =	vst v0  }
0xa: {  	s30 =	sor.u32 $0x70, s4;
	v2 =	vor.u32 s29, v7;
	[tilespmem:$0x30] =	vst v1  }
0xb: {  	s8 =	sor.u32 $0x60, s4;
	v4 =	vor.u32 s30, v7;
	[tilespmem:$0x40] =	vst v2  }
0xc: {  	s31 =	sor.u32 $0x50, s4;
	v5 =	vor.u32 s8, v7;
	[tilespmem:$0x70] =	vst v4  }
0xd: {  	s4 =	sor.u32 $0x10, s4;
	v6 =	vor.u32 s31, v7;
	[tilespmem:$0x60] =	vst v5  }
0xe: {  	s10 =	ssub.s32 $0x2, s7;
	s5 =	sadd.s32 s5, s9;
	v7 =	vor.u32 s4, v7;
	[tilespmem:$0x50] =	vst v6  }
0xf: {  	s4 =	sadd.s32 $0x1A00, s5;
	s5 =	simm.s32 $0x80;
	s6 =	simm.s32 $0x3;
	[tilespmem:$0x10] =	vst v7  }
0x10: {  	[tilespmem:s5], [sflag:$0x3] =	stream.linear.gather [hbm4b:s4+s3], $0x80, $0x38;
	[tilespmem:$0x10100] =	vst v63  }
0x11: {  	s11 =	sshrl.u32 s10, $0x1;
	_ =	swait.ge [sflag:s6], $0x80  }
0x12: {  	s7 =	simm.s32 $0x100;
	s10 =	ssub.s32 s10, s11;
	[sflag:s6] =	ssyncset.done $0x0  }
0x13: {  	s11 =	smax.u32 s10, $0x1;
	s8 =	simm.s32 $0x1;
	[sflag:s6] =	ssyncadd.s32 $0xFFFFFF80  }
0x14: {  	[tilespmem:s7], [sflag:$0x1] =	stream.indirect.gather [hbm4b:s1+s5], $0x200, s3, s5, $0xb8;
	[tilespmem:$0x10100] =	vst v63  }
0x15: {  	p0 =	sne.s32 s11, $0x1;
	_ =	swait.ge [sflag:s8], $0x10000  }
.Ltmp0:
0x16: {  	[sflag:s8] =	ssyncset.done $0x0;
	(pc) =	sbr.rel @!p0 .LBB2_2-.Ltmp0, $4  }
0x17: {  	s9 =	sadd.s32 $0x1C00, s9;
	s10 =	simm.s32 $0x2;
	[sflag:s8] =	ssyncadd.s32 $0xFFFF0000  }
0x18: {  	[hbm4b:s9+s5] =	stream.indirect.scatter [tilespmem:s7], [sflag:$0x2], $0x200, s5, s5, $0xb8;
	[tilespmem:$0x10100] =	vst v63  }
0x19: {  	_ =	swait.ge [sflag:s10], $0x10000  }
0x1a: {  	s11 =	sadd.s32 $0xFFFFFFFF, s11;
	[sflag:s10] =	ssyncset.done $0x0  }
.LBB2_1:
0x1b: {  	p0 =	sne.s32 s11, $0x1;
	s11 =	sadd.s32 $0xFFFFFFFF, s11;
	[sflag:s10] =	ssyncadd.s32 $0xFFFF0000  }
0x1c: {  	[tilespmem:$0x20] =	vst v0  }
0x1d: {  	[tilespmem:$0x30] =	vst v1  }
0x1e: {  	[tilespmem:$0x40] =	vst v2  }
0x1f: {  	[tilespmem:$0x0] =	vst v3  }
0x20: {  	[tilespmem:$0x70] =	vst v4  }
0x21: {  	[tilespmem:$0x60] =	vst v5  }
0x22: {  	[tilespmem:$0x50] =	vst v6  }
0x23: {  	[tilespmem:$0x10] =	vst v7  }
0x24: {  	[tilespmem:s5], [sflag:$0x3] =	stream.linear.gather [hbm4b:s4+s3], $0x80, $0x38;
	[tilespmem:$0x10100] =	vst v63  }
0x25: {  	_ =	swait.ge [sflag:s6], $0x80  }
0x26: {  	[sflag:s6] =	ssyncset.done $0x0  }
0x27: {  	[sflag:s6] =	ssyncadd.s32 $0xFFFFFF80  }
0x28: {  	[tilespmem:s7], [sflag:$0x1] =	stream.indirect.gather [hbm4b:s1+s5], $0x200, s3, s5, $0xb8;
	[tilespmem:$0x10100] =	vst v63  }
0x29: {  	_ =	swait.ge [sflag:s8], $0x10000  }
.Ltmp1:
0x2a: {  	[sflag:s8] =	ssyncset.done $0x0;
	(pc) =	sbr.rel @p0 .LBB2_1-.Ltmp1, $4  }
0x2b: {  	[sflag:s8] =	ssyncadd.s32 $0xFFFF0000  }
0x2c: {  	[hbm4b:s9+s5] =	stream.indirect.scatter [tilespmem:s7], [sflag:$0x2], $0x200, s5, s5, $0xb8;
	[tilespmem:$0x10100] =	vst v63  }
0x2d: {  	_ =	swait.ge [sflag:s10], $0x10000  }
0x2e: {  	[sflag:s10] =	ssyncset.done $0x0  }
.LBB2_2:
0x2f: {  	[sflag:s10] =	ssyncadd.s32 $0xFFFF0000  }
0x30: {  	_ =	sfence.sel $0x180000  }
0x31: {  	[bflag:$0x0] =	sbarrier.arrive $0xFFFF  }
0x32: {  	p0 =	sne.s32 s0, $0x0;
	_ =	strace $0x90000047  }
0x33: {  	s0 =	sadd.s32 @!p0 $0x100000, s2;
	[bflag:$0x2] =	sbarrier.arrive $0xFFFF  }
0x34: {  	[sflag:s0] =	ssyncadd.tile.s32 @!p0 $0x1;
	_ =	shalt  }
.Lfunc_end2:
_tile_overlayer_lowered:
.L_overlay_start_2:
0x35: {  	(tag) =	ssettag $0x2  }
0x36: {  	s0 =	rddreg [dreg:$0x0];
	s2 =	stileid.u32  }
0x37: {  	s1 =	rddreg [dreg:$0x1];
	p0 =	sne.s32 s2, $0x0  }
0x38: {  	s3 =	rddreg [dreg:$0x2];
	[bflag:$0x3] =	sbarrier.arrive $0xFFFF;
	s2 =	simm.s32 @!p0 $0x1C03  }
0x39: {  	[timem:s3], [sflag:s2] =	dma.local @!p0 [hbm:s0], s1  }
0x3a: {  	s0 =	simm.s32 @!p0 $0x3  }
0x3b: {  	_ =	swait.ge @!p0 [sflag:s0], s1  }
0x3c: {  	s1 =	ssub.s32 @!p0 $0x0, s1;
	[sflag:s0] =	ssyncset.done @!p0 $0x0  }
0x3d: {  	[sflag:s0] =	ssyncadd.s32 @!p0 s1  }
0x3e: {  	[bflag:$0x3] =	sbarrier.arrive $0xFFFF  }
0x3f: {  	_ =	shalt  }

</sc_bundles>
